<compile_context>
chip_gen: v7x
topology: tpu7x:2x2x1
jax: 0.10.2.dev20260603
libtpu: 0.0.44.dev20260713+nightly
codegen_flags: <defaults>
</compile_context>

<pallas_src>
import functools

import jax
import jax.numpy as jnp
from jax import lax
from jax.experimental import pallas as pl
from jax.experimental.pallas import tpu as pltpu
from jax.experimental.pallas import tpu_sc as plsc

_N = 10000
_E = 320000
_D = 128
_EPS = 1e-7
_MIN = 1e-15
_MAX = 1e6
_SQ50 = 7.0710678118654755

_NB = 1000
_EB = 16000
_CH = 32
_EPW = _E // 32



def _fsqrt(x):
    i = lax.bitcast_convert_type(x, jnp.int32)
    y = lax.bitcast_convert_type(jnp.int32(0x5F3759DF) - (i >> 1), jnp.float32)
    for _ in range(3):
        y = y * (1.5 - 0.5 * x * y * y)
    return x * y


def _flog(z):
    i = lax.bitcast_convert_type(z, jnp.int32)
    e = (i >> 23) - 127
    m = lax.bitcast_convert_type((i & 0x007FFFFF) | 0x3F800000, jnp.float32)
    big = m > 1.4142135
    m = jnp.where(big, 0.5 * m, m)
    ef = (e + big.astype(jnp.int32)).astype(jnp.float32)
    s = (m - 1.0) / (m + 1.0)
    s2 = s * s
    p = 2.0 * s * (1.0 + s2 * (1.0 / 3.0 + s2 * (0.2 + s2 * (1.0 / 7.0 + s2 * (1.0 / 9.0)))))
    return ef * 0.6931471805599453 + p



def _node_body(h_ref, g_ref, b_ref, w_ref, linb_ref, w1r_ref, w1c_ref, b1_ref,
               trow_ref, tcol_ref, hp_ref):
    X = h_ref[...]
    iot = lax.broadcasted_iota(jnp.int32, X.shape, 1)
    sp = iot > 0

    def spat(v):
        return jnp.where(sp, v, 0.0)

    def arcosh(x):
        return jnp.log(x + jnp.sqrt(jnp.clip(x * x - 1.0, 1e-15, None)))

    def logmap0(x):
        y = spat(x)
        yn = jnp.maximum(jnp.sqrt(jnp.sum(y * y, 1, keepdims=True)), _MIN)
        th = jnp.maximum(x[:, 0:1], 1.0 + _EPS)
        return arcosh(th) * y / yn

    def sinh(t):
        return 0.5 * (jnp.exp(t) - jnp.exp(-t))

    def cosh(t):
        return 0.5 * (jnp.exp(t) + jnp.exp(-t))

    def expmap0p(u):
        y = spat(u)
        yn = jnp.maximum(jnp.sqrt(jnp.sum(y * y, 1, keepdims=True)), _MIN)
        xr = sinh(yn) * y / yn
        x0 = jnp.sqrt(jnp.clip(1.0 + jnp.sum(xr * xr, 1, keepdims=True), _EPS, None))
        return jnp.where(iot == 0, x0, xr)

    def dotT(a, m_ref):
        return lax.dot_general(a, m_ref[...], (((1,), (1,)), ((), ())),
                               preferred_element_type=jnp.float32)

    ht = logmap0(X)
    mu = jnp.sum(ht, 1, keepdims=True) / (_D - 1)
    xc = ht - mu
    var = jnp.sum(spat(xc * xc), 1, keepdims=True) / (_D - 1)
    ln = xc / jnp.sqrt(var + 1e-5) * g_ref[...] + b_ref[...]
    h1 = expmap0p(spat(ln))
    u = logmap0(h1)
    h2 = expmap0p(dotT(u, w_ref))
    hb = expmap0p(spat(linb_ref[...]))
    ub = logmap0(hb)
    x0 = h2[:, 0:1]
    y = spat(h2)
    yn = jnp.maximum(jnp.sqrt(jnp.sum(y * y, 1, keepdims=True)), _MIN)
    yu = y / yn
    vv = jnp.where(iot == 0, -yn, (1.0 - x0) * yu)
    alpha = jnp.sum(yu * ub, 1, keepdims=True)
    w = ub - alpha * vv
    ux = jnp.sum(y * spat(w), 1, keepdims=True)
    w0 = ux / jnp.maximum(x0, _EPS)
    v = jnp.where(iot == 0, w0, w)
    mdv = jnp.sum(v * v, 1, keepdims=True) - 2.0 * w0 * w0
    normu = jnp.minimum(jnp.sqrt(jnp.clip(mdv, _EPS, None)), _MAX)
    th2 = jnp.maximum(normu, _MIN)
    rsp = cosh(th2) * y + sinh(th2) * spat(v) / th2
    x0p = jnp.sqrt(jnp.clip(1.0 + jnp.sum(rsp * rsp, 1, keepdims=True), _EPS, None))
    hp = jnp.where(iot == 0, x0p, rsp)
    xt = logmap0(hp)
    ar = dotT(xt, w1r_ref) + b1_ref[...]
    ac = dotT(xt, w1c_ref)
    trow_ref[...] = jnp.concatenate([hp, ar], axis=1)
    tcol_ref[...] = jnp.concatenate([hp, ac], axis=1)
    hp_ref[...] = hp


def _stage1(h, g128, b128, lin_W, linb, w1r, w1c, b1):
    grid = _N // _NB
    full = lambda shape: pl.BlockSpec(shape, lambda i: (0, 0))
    return pl.pallas_call(
        _node_body,
        grid=(grid,),
        in_specs=[
            pl.BlockSpec((_NB, _D), lambda i: (i, 0)),
            full((1, _D)), full((1, _D)), full((_D, _D)), full((1, _D)),
            full((_D, _D)), full((_D, _D)), full((1, _D)),
        ],
        out_specs=[
            pl.BlockSpec((_NB, 2 * _D), lambda i: (i, 0)),
            pl.BlockSpec((_NB, 2 * _D), lambda i: (i, 0)),
            pl.BlockSpec((_NB, _D), lambda i: (i, 0)),
        ],
        out_shape=[
            jax.ShapeDtypeStruct((_N, 2 * _D), jnp.float32),
            jax.ShapeDtypeStruct((_N, 2 * _D), jnp.float32),
            jax.ShapeDtypeStruct((_N, _D), jnp.float32),
        ],
    )(h, g128, b128, lin_W, linb, w1r, w1c, b1)


def _ee_body(eat_ref, w1e_ref, ee_ref):
    eat = eat_ref[...]
    w = w1e_ref[...]
    ee_ref[...] = lax.dot_general(eat, w, (((0,), (0,)), ((), ())),
                                  preferred_element_type=jnp.float32)


def _stage_ee(edge_attrT, w1eT):
    grid = _E // _EB
    return pl.pallas_call(
        _ee_body,
        grid=(grid,),
        in_specs=[
            pl.BlockSpec((4, _EB), lambda i: (0, i)),
            pl.BlockSpec((4, _D), lambda i: (0, 0)),
        ],
        out_specs=pl.BlockSpec((_EB, _D), lambda i: (i, 0)),
        out_shape=jax.ShapeDtypeStruct((_E, _D), jnp.float32),
    )(edge_attrT, w1eT)



def _edge_sc(idx, trow, tcol, ee, w2, b2x, zeros):
    mesh = plsc.VectorSubcoreMesh(core_axis_name="c", subcore_axis_name="s")
    rows_per_tile = (_N // 16) // 8 * 8
    tail0 = 16 * rows_per_tile
    tailn = _N - tail0

    @functools.partial(
        pl.kernel,
        out_type=jax.ShapeDtypeStruct((2, _N, _D), jnp.float32),
        mesh=mesh,
        scratch_types=[
            pltpu.VMEM((2, 2, _CH), jnp.int32),
            pltpu.VMEM((2, _CH, 2 * _D), jnp.float32),
            pltpu.VMEM((2, _CH, 2 * _D), jnp.float32),
            pltpu.VMEM((2, _CH, _D), jnp.float32),
            pltpu.VMEM((_CH, _D), jnp.float32),
            pltpu.VMEM((_D,), jnp.float32),
            pltpu.VMEM((16,), jnp.float32),
            pltpu.VMEM_SHARED((_N, _D), jnp.float32),
            pltpu.SemaphoreType.DMA,
            pltpu.SemaphoreType.DMA,
        ],
        compiler_params=pltpu.CompilerParams(use_tc_tiling_on_sc=False,
                                             needs_layout_passes=False),
    )
    def k(idx_hbm, trow_hbm, tcol_hbm, ee_hbm, w2_hbm, b2_hbm, z_hbm,
          out_hbm, idxv, rbuf, cbuf, eebuf, contrib, w2v, b2v, aggsh,
          sem0, sem1):
        c = lax.axis_index("c")
        s = lax.axis_index("s")
        widx = c * 16 + s
        r0 = s * rows_per_tile
        pltpu.sync_copy(z_hbm.at[pl.ds(r0, rows_per_tile)],
                        aggsh.at[pl.ds(r0, rows_per_tile)])

        if tailn:
            @pl.when(s == 0)
            def _():
                pltpu.sync_copy(z_hbm.at[pl.ds(tail0, tailn)],
                                aggsh.at[pl.ds(tail0, tailn)])

        pltpu.sync_copy(w2_hbm, w2v)
        pltpu.sync_copy(b2_hbm, b2v)
        plsc.subcore_barrier()
        iota = lax.iota(jnp.int32, 16)
        lane0 = (iota == 0).astype(jnp.float32)
        b2vec = b2v[...]
        w2reg = [w2v[pl.ds(16 * k, 16)] for k in range(8)]
        K8 = _D // 16

        def bc(sc):
            return jnp.full((16,), sc, jnp.float32)

        def rsum(v):
            return jnp.sum(v, axis=0)

        sems = (sem0, sem1)
        nfull = _EPW // _CH

        def base_of(ci):
            return widx * (nfull * _CH) + ci * _CH

        def issue(base, p):
            pltpu.sync_copy(idx_hbm.at[:, pl.ds(base, _CH)], idxv.at[p])
            pltpu.async_copy(trow_hbm.at[idxv.at[p, 0]], rbuf.at[p], sems[p])
            pltpu.async_copy(tcol_hbm.at[idxv.at[p, 1]], cbuf.at[p], sems[p])
            pltpu.async_copy(ee_hbm.at[pl.ds(base, _CH)], eebuf.at[p], sems[p])

        def drain(base, p):
            pltpu.make_async_copy(trow_hbm.at[idxv.at[p, 0]], rbuf.at[p], sems[p]).wait()
            pltpu.make_async_copy(tcol_hbm.at[idxv.at[p, 1]], cbuf.at[p], sems[p]).wait()
            pltpu.make_async_copy(ee_hbm.at[pl.ds(base, _CH)], eebuf.at[p], sems[p]).wait()

        def compute(p):
            @functools.partial(plsc.parallel_loop, 0, _CH, unroll=4)
            def _(e):
                xs = [rbuf[p, e, pl.ds(16 * k, 16)] for k in range(K8)]
                ys = [cbuf[p, e, pl.ds(16 * k, 16)] for k in range(K8)]
                dv = xs[0] * ys[0]
                for k in range(1, K8):
                    dv = dv + xs[k] * ys[k]
                s1 = bc(rsum(dv))
                x0 = bc(rsum(xs[0] * lane0))
                y0 = bc(rsum(ys[0] * lane0))
                pv = None
                for k in range(K8):
                    pre = rbuf[p, e, pl.ds(_D + 16 * k, 16)] \
                        + cbuf[p, e, pl.ds(_D + 16 * k, 16)] \
                        + eebuf[p, e, pl.ds(16 * k, 16)]
                    sa = pre / (1.0 + jnp.exp(-pre))
                    pv = sa * w2reg[k] if pv is None else pv + sa * w2reg[k]
                a2 = bc(rsum(pv))
                md = s1 - 2.0 * x0 * y0
                xy = jnp.minimum(md + 1.0, -_EPS) - 1.0
                th = jnp.maximum(-md, 1.0 + _EPS)
                dist = jnp.minimum(_flog(th + _fsqrt((th - 1.0) * (th + 1.0))), _SQ50)
                us = [ys[k] + xy * xs[k] for k in range(K8)]
                u0 = y0 + xy * x0
                qv = us[0] * us[0]
                tv = xs[0] * us[0]
                for k in range(1, K8):
                    qv = qv + us[k] * us[k]
                    tv = tv + xs[k] * us[k]
                s2 = bc(rsum(qv))
                s3 = bc(rsum(tv))
                normu = _fsqrt(jnp.maximum(s2 - 2.0 * u0 * u0, _EPS))
                att = 1.0 / (1.0 + jnp.exp(-(a2 + b2vec)))
                coef = att * dist / normu
                o0 = coef * (s3 - x0 * u0) / x0
                first = coef * us[0]
                contrib[e, pl.ds(0, 16)] = jnp.where(iota == 0, o0, first)
                for k in range(1, K8):
                    contrib[e, pl.ds(16 * k, 16)] = coef * us[k]

            pltpu.sync_copy(contrib, aggsh.at[idxv.at[p, 0]], add=True)

        main_span = 32 * nfull * _CH

        issue(base_of(0), 0)

        def outer(g, _):
            c0 = 2 * g
            issue(base_of(c0 + 1), 1)
            drain(base_of(c0), 0)
            compute(0)

            @pl.when(g < nfull // 2 - 1)
            def _():
                issue(base_of(c0 + 2), 0)

            drain(base_of(c0 + 1), 1)
            compute(1)
            return 0

        lax.fori_loop(0, nfull // 2, outer, 0)

        @pl.when(widx < (_E - main_span) // _CH)
        def _():
            base = main_span + widx * _CH
            issue(base, 0)
            drain(base, 0)
            compute(0)

        plsc.subcore_barrier()
        pltpu.sync_copy(aggsh.at[pl.ds(r0, rows_per_tile)],
                        out_hbm.at[c, pl.ds(r0, rows_per_tile)])

        if tailn:
            @pl.when(s == 0)
            def _():
                pltpu.sync_copy(aggsh.at[pl.ds(tail0, tailn)],
                                out_hbm.at[c, pl.ds(tail0, tailn)])

    return k(idx, trow, tcol, ee, w2, b2x, zeros)



def _final_body(hp_ref, p_ref, out_ref):
    x = hp_ref[...]
    p = p_ref[...]
    agg = p[0] + p[1]
    iot = lax.broadcasted_iota(jnp.int32, x.shape, 1)
    sp = iot > 0

    def spat(v):
        return jnp.where(sp, v, 0.0)

    y = spat(x)
    a0 = agg[:, 0:1]
    mdv = jnp.sum(agg * agg, 1, keepdims=True) - 2.0 * a0 * a0
    normu = jnp.minimum(jnp.sqrt(jnp.clip(mdv, _EPS, None)), _MAX)
    th = jnp.maximum(normu, _MIN)
    rsp = (0.5 * (jnp.exp(th) + jnp.exp(-th))) * y \
        + (0.5 * (jnp.exp(th) - jnp.exp(-th))) * spat(agg) / th
    x0p = jnp.sqrt(jnp.clip(1.0 + jnp.sum(rsp * rsp, 1, keepdims=True), _EPS, None))
    yn = jnp.maximum(jnp.sqrt(jnp.sum(rsp * rsp, 1, keepdims=True)), _MIN)
    thh = jnp.maximum(x0p, 1.0 + _EPS)
    ach = jnp.log(thh + jnp.sqrt(jnp.clip(thh * thh - 1.0, 1e-15, None)))
    lt = ach * rsp / yn
    st = spat(lt / (1.0 + jnp.exp(-lt)))
    sn = jnp.maximum(jnp.sqrt(jnp.sum(st * st, 1, keepdims=True)), _MIN)
    xr = (0.5 * (jnp.exp(sn) - jnp.exp(-sn))) * st / sn
    ox0 = jnp.sqrt(jnp.clip(1.0 + jnp.sum(xr * xr, 1, keepdims=True), _EPS, None))
    out_ref[...] = jnp.where(iot == 0, ox0, xr)


def _stage3(hp, parts):
    grid = _N // _NB
    bs = pl.BlockSpec((_NB, _D), lambda i: (i, 0))
    return pl.pallas_call(
        _final_body,
        grid=(grid,),
        in_specs=[bs, pl.BlockSpec((2, _NB, _D), lambda i: (0, i, 0))],
        out_specs=bs,
        out_shape=jax.ShapeDtypeStruct((_N, _D), jnp.float32),
    )(hp, parts)



def kernel(h, edge_index, edge_attr, ln_g, ln_b, lin_W, lin_b,
           att_W1, att_b1, att_W2, att_b2):
    g128 = jnp.concatenate([jnp.ones((1,), jnp.float32), ln_g])[None, :]
    b128 = jnp.concatenate([jnp.zeros((1,), jnp.float32), ln_b])[None, :]
    linb = lin_b[None, :]
    w1r = att_W1[:, :_D]
    w1c = att_W1[:, _D:2 * _D]
    w1eT = att_W1[:, 2 * _D:].T
    b1 = att_b1[None, :]
    trow, tcol, hp = _stage1(h, g128, b128, lin_W, linb, w1r, w1c, b1)
    ee = _stage_ee(edge_attr.T, w1eT)
    idx = edge_index.astype(jnp.int32)
    w2 = att_W2.reshape(_D)
    b2x = jnp.ones((16,), jnp.float32) * att_b2
    zeros = jnp.zeros((_N, _D), jnp.float32)
    parts = _edge_sc(idx, trow, tcol, ee, w2, b2x, zeros)
    return _stage3(hp, parts)

# --- scband reference (transcript-rebuilt; emitter-appended) ---
"""Pipeline reference for scband-hgcl-47132971106886 (READ-ONLY COPY).

The authoritative reference and input builder live on the scoring server;
editing this copy changes nothing except your own understanding.
"""

import jax, jax.numpy as jnp
import numpy as np

N = 10000
E = 320000
D = 128
EDGE_D = 4
C_IN = 1.0
C_OUT = 1.0
EPS = 1e-7
MIN_NORM = 1e-15
MAX_NORM = 1e6


def arcosh(x):
    return jnp.log(x + jnp.sqrt(jnp.clip(x * x - 1.0, 1e-15, None)))


def mdot(x, y):
    return jnp.sum(x * y, axis=-1, keepdims=True) - 2.0 * x[..., 0:1] * y[..., 0:1]


def mnorm(u):
    return jnp.sqrt(jnp.clip(mdot(u, u), EPS, None))


def proj(x, c):
    K = 1.0 / c
    y = x[..., 1:]
    x0 = jnp.sqrt(jnp.clip(K + jnp.sum(y * y, axis=-1, keepdims=True), EPS, None))
    return jnp.concatenate([x0, y], axis=-1)


def proj_tan(u, x, c):
    ux = jnp.sum(x[..., 1:] * u[..., 1:], axis=-1, keepdims=True)
    u0 = ux / jnp.clip(x[..., 0:1], EPS, None)
    return jnp.concatenate([u0, u[..., 1:]], axis=-1)


def proj_tan0(u, c):
    return jnp.concatenate([jnp.zeros_like(u[..., 0:1]), u[..., 1:]], axis=-1)


def expmap(u, x, c):
    K = 1.0 / c
    sqrtK = K ** 0.5
    normu = jnp.clip(mnorm(u), None, MAX_NORM)
    theta = jnp.clip(normu / sqrtK, MIN_NORM, None)
    result = jnp.cosh(theta) * x + jnp.sinh(theta) * u / theta
    return proj(result, c)


def expmap0(u, c):
    K = 1.0 / c
    sqrtK = K ** 0.5
    y = u[..., 1:]
    y_norm = jnp.clip(jnp.linalg.norm(y, axis=-1, keepdims=True), MIN_NORM, None)
    theta = y_norm / sqrtK
    x0 = sqrtK * jnp.cosh(theta)
    xr = sqrtK * jnp.sinh(theta) * y / y_norm
    return proj(jnp.concatenate([x0, xr], axis=-1), c)


def logmap0(x, c):
    K = 1.0 / c
    sqrtK = K ** 0.5
    y = x[..., 1:]
    y_norm = jnp.clip(jnp.linalg.norm(y, axis=-1, keepdims=True), MIN_NORM, None)
    theta = jnp.clip(x[..., 0:1] / sqrtK, 1.0 + EPS, None)
    res = sqrtK * arcosh(theta) * y / y_norm
    return jnp.concatenate([jnp.zeros_like(x[..., 0:1]), res], axis=-1)


def sqdist(x, y, c):
    K = 1.0 / c
    theta = jnp.clip(-mdot(x, y) / K, 1.0 + EPS, None)
    return jnp.clip(K * arcosh(theta) ** 2, None, 50.0)


def logmap(x, y, c):
    K = 1.0 / c
    xy = jnp.clip(mdot(x, y) + K, None, -EPS) - K
    u = y + xy * x * c
    normu = jnp.clip(mnorm(u), MIN_NORM, None)
    dist = jnp.sqrt(sqdist(x, y, c))
    return proj_tan(dist * u / normu, x, c)


def ptransp0(x, u, c):
    K = 1.0 / c
    sqrtK = K ** 0.5
    x0 = x[..., 0:1]
    y = x[..., 1:]
    y_norm = jnp.clip(jnp.linalg.norm(y, axis=-1, keepdims=True), MIN_NORM, None)
    y_unit = y / y_norm
    v = jnp.concatenate([-y_norm, (sqrtK - x0) * y_unit], axis=-1)
    alpha = jnp.sum(y_unit * u[..., 1:], axis=-1, keepdims=True) / sqrtK
    return proj_tan(u - alpha * v, x, c)


def mobius_add(x, y, c):
    u = logmap0(y, c)
    v = ptransp0(x, u, c)
    return expmap(v, x, c)


def mobius_matvec(m, x, c):
    u = logmap0(x, c)
    mu = u @ m.T
    return expmap0(mu, c)


def layer_norm(x, g, b):
    mu = jnp.mean(x, axis=-1, keepdims=True)
    var = jnp.mean((x - mu) ** 2, axis=-1, keepdims=True)
    return (x - mu) / jnp.sqrt(var + 1e-5) * g + b


def silu(x):
    return x * jax.nn.sigmoid(x)


def hgcl_forward(h, edge_index, edge_attr, ln_g, ln_b, lin_W, lin_b, att_W1, att_b1, att_W2, att_b2):
    # HypNorm: logmap0 -> LayerNorm on spatial coords -> expmap0
    ht = logmap0(h, C_IN)
    ht = jnp.concatenate([ht[..., 0:1], layer_norm(ht[..., 1:], ln_g, ln_b)], axis=-1)
    h = expmap0(ht, C_IN)
    # HypLinear: mobius matvec + hyperbolic bias
    mv = proj(mobius_matvec(lin_W, h, C_IN), C_IN)
    bias = proj_tan0(lin_b[None, :], C_IN)
    hyp_bias = proj(expmap0(bias, C_IN), C_IN)
    h = proj(mobius_add(mv, hyp_bias, C_IN), C_IN)
    # HypAgg with local_agg=True: local log maps, dense attention over edges, scatter-add
    row = edge_index[0]
    col = edge_index[1]
    x_tangent = logmap0(h, C_IN)
    x_local = logmap(h[row], h[col], C_IN)
    feat = jnp.concatenate([x_tangent[row], x_tangent[col], edge_attr], axis=-1)
    a = silu(feat @ att_W1.T + att_b1)
    att = jax.nn.sigmoid(a @ att_W2.T + att_b2)
    agg = jax.ops.segment_sum(x_local * att, row, num_segments=N)
    h = proj(expmap(agg, h, C_IN), C_IN)
    # HypAct
    xt = silu(logmap0(h, C_IN))
    xt = proj_tan0(xt, C_OUT)
    h = proj(expmap0(xt, C_OUT), C_OUT)
    return h


def setup_inputs(seed: int = 0) -> dict:
    key = jax.random.key(seed)
    ks = jax.random.split(key, 8)
    h = expmap0(proj_tan0(0.1 * jax.random.normal(ks[0], (N, D), dtype=jnp.float32), C_IN), C_IN)
    edge_index = jax.random.randint(ks[1], (2, E), 0, N)
    edge_attr = jax.random.normal(ks[2], (E, EDGE_D), dtype=jnp.float32)
    ln_g = jnp.ones((D - 1,), jnp.float32)
    ln_b = jnp.zeros((D - 1,), jnp.float32)
    lin_W = (1.0 / np.sqrt(D)) * jax.random.normal(ks[3], (D, D), dtype=jnp.float32)
    lin_b = 0.01 * jax.random.normal(ks[4], (D,), dtype=jnp.float32)
    att_W1 = (1.0 / np.sqrt(2 * D + EDGE_D)) * jax.random.normal(ks[5], (D, 2 * D + EDGE_D), dtype=jnp.float32)
    att_b1 = jnp.zeros((D,), jnp.float32)
    att_W2 = (1.0 / np.sqrt(D)) * jax.random.normal(ks[6], (1, D), dtype=jnp.float32)
    att_b2 = jnp.zeros((1,), jnp.float32)
    return {"h": h, "edge_index": edge_index, "edge_attr": edge_attr, "ln_g": ln_g, "ln_b": ln_b, "lin_W": lin_W, "lin_b": lin_b, "att_W1": att_W1, "att_b1": att_b1, "att_W2": att_W2, "att_b2": att_b2}


def reference(h, edge_index, edge_attr, ln_g, ln_b, lin_W, lin_b, att_W1, att_b1, att_W2, att_b2):
    return hgcl_forward(h, edge_index, edge_attr, ln_g, ln_b, lin_W, lin_b, att_W1, att_b1, att_W2, att_b2)

if __name__ == "__main__":
    import jax
    _d = setup_inputs()
    print(jax.jit(kernel)(*tuple(_d.values())))

</pallas_src>

<mosaic_0001>
#map = affine_map<(d0, d1) -> (0, 0)>
#map1 = affine_map<(d0, d1) -> (0)>
#map2 = affine_map<(d0, d1) -> (0, 0, 0)>
module attributes {stable_mosaic.version = 14 : i64} {
  func.func @k(%arg0: i32, %arg1: i32, %arg2: memref<2x320000xi32, #tpu.memory_space<hbm>>, %arg3: memref<10000x256xf32, #tpu.memory_space<hbm>>, %arg4: memref<10000x256xf32, #tpu.memory_space<hbm>>, %arg5: memref<320000x128xf32, #tpu.memory_space<hbm>>, %arg6: memref<128xf32, #tpu.memory_space<hbm>>, %arg7: memref<16xf32, #tpu.memory_space<hbm>>, %arg8: memref<10000x128xf32, #tpu.memory_space<hbm>>, %arg9: memref<2x10000x128xf32, #tpu.memory_space<hbm>>, %arg10: memref<2x2x32xi32, #tpu.memory_space<vmem>>, %arg11: memref<2x32x256xf32, #tpu.memory_space<vmem>>, %arg12: memref<2x32x256xf32, #tpu.memory_space<vmem>>, %arg13: memref<2x32x128xf32, #tpu.memory_space<vmem>>, %arg14: memref<32x128xf32, #tpu.memory_space<vmem>>, %arg15: memref<128xf32, #tpu.memory_space<vmem>>, %arg16: memref<16xf32, #tpu.memory_space<vmem>>, %arg17: memref<10000x128xf32, #tpu.memory_space<vmem_shared>>, %arg18: memref<!tpu.dma_semaphore, #tpu.memory_space<semaphore_mem>>, %arg19: memref<!tpu.dma_semaphore, #tpu.memory_space<semaphore_mem>>) attributes {dimension_semantics = [#tpu.dimension_semantics<core_parallel>, #tpu.dimension_semantics<subcore_parallel>], iteration_bounds = array<i64: 2, 16>, scalar_prefetch = 0 : i64, scratch_operands = 10 : i64, tpu.core_type = #tpu.core_type<sc_vector_subcore>, window_params = [{transform_indices = #map}, {transform_indices = #map}, {transform_indices = #map}, {transform_indices = #map}, {transform_indices = #map1}, {transform_indices = #map1}, {transform_indices = #map}, {transform_indices = #map2}]} {
    %mul3A = arith.constant 16 : i32
    %mul3A_0 = arith.muli %arg0, %mul3A : i32
    %add3A = arith.addi %mul3A_0, %arg1 : i32
    %mul3A_1 = arith.constant 624 : i32
    %mul3A_2 = arith.muli %arg1, %mul3A_1 : i32
    "tpu.region"() ({
      %run_scoped3A_85 = tpu.sem_alloc : memref<!tpu.dma_semaphore, #tpu.memory_space<semaphore_mem>>
      %dma_start3A_86 = arith.constant 0 : i32
      %dma_start3A_87 = tpu.memref_slice %arg17[%mul3A_2, %dma_start3A_86] : memref<10000x128xf32, #tpu.memory_space<vmem_shared>> -> memref<624x128xf32, #tpu.memory_space<vmem_shared>>
      %dma_start3A_88 = arith.constant 0 : i32
      %dma_start3A_89 = tpu.memref_slice %arg8[%mul3A_2, %dma_start3A_88] : memref<10000x128xf32, #tpu.memory_space<hbm>> -> memref<624x128xf32, #tpu.memory_space<hbm>>
      tpu.enqueue_dma source(%dma_start3A_89 : memref<624x128xf32, #tpu.memory_space<hbm>>) target(%dma_start3A_87 : memref<624x128xf32, #tpu.memory_space<vmem_shared>>) target_semaphore(%run_scoped3A_85 : memref<!tpu.dma_semaphore, #tpu.memory_space<semaphore_mem>>)
      %dma_wait3A = arith.constant 0 : i32
      %dma_wait3A_90 = tpu.memref_slice %arg17[%mul3A_2, %dma_wait3A] : memref<10000x128xf32, #tpu.memory_space<vmem_shared>> -> memref<624x128xf32, #tpu.memory_space<vmem_shared>>
      %dma_wait3A_91 = arith.constant 0 : i32
      %dma_wait3A_92 = tpu.memref_slice %arg8[%mul3A_2, %dma_wait3A_91] : memref<10000x128xf32, #tpu.memory_space<hbm>> -> memref<624x128xf32, #tpu.memory_space<hbm>>
      tpu.wait_dma2 semaphore(%run_scoped3A_85 : memref<!tpu.dma_semaphore, #tpu.memory_space<semaphore_mem>>) src(%dma_wait3A_92 : memref<624x128xf32, #tpu.memory_space<hbm>>) dst(%dma_wait3A_90 : memref<624x128xf32, #tpu.memory_space<vmem_shared>>)
      tpu.yield
    }) : () -> ()
    %eq3A = arith.constant 0 : i32
    %eq3A_3 = arith.cmpi eq, %arg1, %eq3A : i32
    %convert_element_type3A = arith.extui %eq3A_3 : i1 to i32
    %cond3A = arith.constant 0 : i32
    %cond3A_4 = arith.cmpi ne, %convert_element_type3A, %cond3A : i32
    scf.if %cond3A_4 {
      "tpu.region"() ({
        %run_scoped3A_85 = tpu.sem_alloc : memref<!tpu.dma_semaphore, #tpu.memory_space<semaphore_mem>>
        %dma_start3A_86 = arith.constant 9984 : i32
        %dma_start3A_87 = arith.constant 0 : i32
        %dma_start3A_88 = tpu.memref_slice %arg17[%dma_start3A_86, %dma_start3A_87] : memref<10000x128xf32, #tpu.memory_space<vmem_shared>> -> memref<16x128xf32, #tpu.memory_space<vmem_shared>>
        %dma_start3A_89 = arith.constant 9984 : i32
        %dma_start3A_90 = arith.constant 0 : i32
        %dma_start3A_91 = tpu.memref_slice %arg8[%dma_start3A_89, %dma_start3A_90] : memref<10000x128xf32, #tpu.memory_space<hbm>> -> memref<16x128xf32, #tpu.memory_space<hbm>>
        tpu.enqueue_dma source(%dma_start3A_91 : memref<16x128xf32, #tpu.memory_space<hbm>>) target(%dma_start3A_88 : memref<16x128xf32, #tpu.memory_space<vmem_shared>>) target_semaphore(%run_scoped3A_85 : memref<!tpu.dma_semaphore, #tpu.memory_space<semaphore_mem>>)
        %dma_wait3A = arith.constant 9984 : i32
        %dma_wait3A_92 = arith.constant 0 : i32
        %dma_wait3A_93 = tpu.memref_slice %arg17[%dma_wait3A, %dma_wait3A_92] : memref<10000x128xf32, #tpu.memory_space<vmem_shared>> -> memref<16x128xf32, #tpu.memory_space<vmem_shared>>
        %dma_wait3A_94 = arith.constant 9984 : i32
        %dma_wait3A_95 = arith.constant 0 : i32
        %dma_wait3A_96 = tpu.memref_slice %arg8[%dma_wait3A_94, %dma_wait3A_95] : memref<10000x128xf32, #tpu.memory_space<hbm>> -> memref<16x128xf32, #tpu.memory_space<hbm>>
        tpu.wait_dma2 semaphore(%run_scoped3A_85 : memref<!tpu.dma_semaphore, #tpu.memory_space<semaphore_mem>>) src(%dma_wait3A_96 : memref<16x128xf32, #tpu.memory_space<hbm>>) dst(%dma_wait3A_93 : memref<16x128xf32, #tpu.memory_space<vmem_shared>>)
        tpu.yield
      }) : () -> ()
    } else {
    }
    "tpu.region"() ({
      %run_scoped3A_85 = tpu.sem_alloc : memref<!tpu.dma_semaphore, #tpu.memory_space<semaphore_mem>>
      tpu.enqueue_dma source(%arg6 : memref<128xf32, #tpu.memory_space<hbm>>) target(%arg15 : memref<128xf32, #tpu.memory_space<vmem>>) target_semaphore(%run_scoped3A_85 : memref<!tpu.dma_semaphore, #tpu.memory_space<semaphore_mem>>)
      tpu.wait_dma2 semaphore(%run_scoped3A_85 : memref<!tpu.dma_semaphore, #tpu.memory_space<semaphore_mem>>) src(%arg6 : memref<128xf32, #tpu.memory_space<hbm>>) dst(%arg15 : memref<128xf32, #tpu.memory_space<vmem>>)
      tpu.yield
    }) : () -> ()
    "tpu.region"() ({
      %run_scoped3A_85 = tpu.sem_alloc : memref<!tpu.dma_semaphore, #tpu.memory_space<semaphore_mem>>
      tpu.enqueue_dma source(%arg7 : memref<16xf32, #tpu.memory_space<hbm>>) target(%arg16 : memref<16xf32, #tpu.memory_space<vmem>>) target_semaphore(%run_scoped3A_85 : memref<!tpu.dma_semaphore, #tpu.memory_space<semaphore_mem>>)
      tpu.wait_dma2 semaphore(%run_scoped3A_85 : memref<!tpu.dma_semaphore, #tpu.memory_space<semaphore_mem>>) src(%arg7 : memref<16xf32, #tpu.memory_space<hbm>>) dst(%arg16 : memref<16xf32, #tpu.memory_space<vmem>>)
      tpu.yield
    }) : () -> ()
    %barrier3A = arith.constant 0 : index
    tpu.barrier barrier_id(%barrier3A)
    %iota3A = tpu.iota {dimensions = array<i32: 0>} : vector<16xi32>
    %eq3A_5 = arith.constant 0 : i32
    %eq3A_6 = vector.broadcast %eq3A_5 : i32 to vector<16xi32>
    %eq3A_7 = arith.cmpi eq, %iota3A, %eq3A_6 : vector<16xi32>
    %convert_element_type3A_8 = arith.extui %eq3A_7 : vector<16xi1> to vector<16xi32>
    %convert_element_type3A_9 = arith.sitofp %convert_element_type3A_8 : vector<16xi32> to vector<16xf32>
    %get3A = arith.constant 0 : index
    %get3A_10 = tpu.vector_load %arg16[%get3A] {strides = array<i32>} : memref<16xf32, #tpu.memory_space<vmem>>, vector<16xf32>,
    %get3A_11 = arith.constant 0 : index
    %get3A_12 = tpu.vector_load %arg15[%get3A_11] {strides = array<i32>} : memref<128xf32, #tpu.memory_space<vmem>>, vector<16xf32>,
    %get3A_13 = arith.constant 16 : index
    %get3A_14 = tpu.vector_load %arg15[%get3A_13] {strides = array<i32>} : memref<128xf32, #tpu.memory_space<vmem>>, vector<16xf32>,
    %get3A_15 = arith.constant 32 : index
    %get3A_16 = tpu.vector_load %arg15[%get3A_15] {strides = array<i32>} : memref<128xf32, #tpu.memory_space<vmem>>, vector<16xf32>,
    %get3A_17 = arith.constant 48 : index
    %get3A_18 = tpu.vector_load %arg15[%get3A_17] {strides = array<i32>} : memref<128xf32, #tpu.memory_space<vmem>>, vector<16xf32>,
    %get3A_19 = arith.constant 64 : index
    %get3A_20 = tpu.vector_load %arg15[%get3A_19] {strides = array<i32>} : memref<128xf32, #tpu.memory_space<vmem>>, vector<16xf32>,
    %get3A_21 = arith.constant 80 : index
    %get3A_22 = tpu.vector_load %arg15[%get3A_21] {strides = array<i32>} : memref<128xf32, #tpu.memory_space<vmem>>, vector<16xf32>,
    %get3A_23 = arith.constant 96 : index
    %get3A_24 = tpu.vector_load %arg15[%get3A_23] {strides = array<i32>} : memref<128xf32, #tpu.memory_space<vmem>>, vector<16xf32>,
    %get3A_25 = arith.constant 112 : index
    %get3A_26 = tpu.vector_load %arg15[%get3A_25] {strides = array<i32>} : memref<128xf32, #tpu.memory_space<vmem>>, vector<16xf32>,
    %mul3A_27 = arith.constant 9984 : i32
    %mul3A_28 = arith.muli %add3A, %mul3A_27 : i32
    %add3A_29 = arith.constant 0 : i32
    %add3A_30 = arith.addi %mul3A_28, %add3A_29 : i32
    %run_scoped3A = arith.constant 0 : i32
    "tpu.region"() ({
      %run_scoped3A_85 = tpu.sem_alloc : memref<!tpu.dma_semaphore, #tpu.memory_space<semaphore_mem>>
      %dma_start3A_86 = arith.constant 0 : i32
      %dma_start3A_87 = arith.constant 0 : i32
      %dma_start3A_88 = tpu.memref_slice %arg10[%run_scoped3A, %dma_start3A_86, %dma_start3A_87] : memref<2x2x32xi32, #tpu.memory_space<vmem>> -> memref<1x2x32xi32, #tpu.memory_space<vmem>>
      %dma_start3A_89 = tpu.memref_squeeze %dma_start3A_88 : memref<1x2x32xi32, #tpu.memory_space<vmem>> -> memref<2x32xi32, #tpu.memory_space<vmem>>
      %dma_start3A_90 = arith.constant 0 : i32
      %dma_start3A_91 = tpu.memref_slice %arg2[%dma_start3A_90, %add3A_30] : memref<2x320000xi32, #tpu.memory_space<hbm>> -> memref<2x32xi32, #tpu.memory_space<hbm>>
      %dma_start3A_92 = arith.constant 0 : i32
      %dma_start3A_93 = arith.constant 0 : i32
      %dma_start3A_94 = tpu.memref_slice %arg10[%run_scoped3A, %dma_start3A_92, %dma_start3A_93] : memref<2x2x32xi32, #tpu.memory_space<vmem>> -> memref<1x2x32xi32, #tpu.memory_space<vmem>>
      %dma_start3A_95 = tpu.memref_squeeze %dma_start3A_94 : memref<1x2x32xi32, #tpu.memory_space<vmem>> -> memref<2x32xi32, #tpu.memory_space<vmem>>
      %dma_start3A_96 = arith.constant 0 : i32
      %dma_start3A_97 = tpu.memref_slice %arg2[%dma_start3A_96, %add3A_30] : memref<2x320000xi32, #tpu.memory_space<hbm>> -> memref<2x32xi32, #tpu.memory_space<hbm>>
      tpu.enqueue_dma source(%dma_start3A_97 : memref<2x32xi32, #tpu.memory_space<hbm>>) target(%dma_start3A_95 : memref<2x32xi32, #tpu.memory_space<vmem>>) target_semaphore(%run_scoped3A_85 : memref<!tpu.dma_semaphore, #tpu.memory_space<semaphore_mem>>)
      %dma_wait3A = arith.constant 0 : i32
      %dma_wait3A_98 = arith.constant 0 : i32
      %dma_wait3A_99 = tpu.memref_slice %arg10[%run_scoped3A, %dma_wait3A, %dma_wait3A_98] : memref<2x2x32xi32, #tpu.memory_space<vmem>> -> memref<1x2x32xi32, #tpu.memory_space<vmem>>
      %dma_wait3A_100 = tpu.memref_squeeze %dma_wait3A_99 : memref<1x2x32xi32, #tpu.memory_space<vmem>> -> memref<2x32xi32, #tpu.memory_space<vmem>>
      %dma_wait3A_101 = arith.constant 0 : i32
      %dma_wait3A_102 = tpu.memref_slice %arg2[%dma_wait3A_101, %add3A_30] : memref<2x320000xi32, #tpu.memory_space<hbm>> -> memref<2x32xi32, #tpu.memory_space<hbm>>
      %dma_wait3A_103 = arith.constant 0 : i32
      %dma_wait3A_104 = arith.constant 0 : i32
      %dma_wait3A_105 = tpu.memref_slice %arg10[%run_scoped3A, %dma_wait3A_103, %dma_wait3A_104] : memref<2x2x32xi32, #tpu.memory_space<vmem>> -> memref<1x2x32xi32, #tpu.memory_space<vmem>>
      %dma_wait3A_106 = tpu.memref_squeeze %dma_wait3A_105 : memref<1x2x32xi32, #tpu.memory_space<vmem>> -> memref<2x32xi32, #tpu.memory_space<vmem>>
      %dma_wait3A_107 = arith.constant 0 : i32
      %dma_wait3A_108 = tpu.memref_slice %arg2[%dma_wait3A_107, %add3A_30] : memref<2x320000xi32, #tpu.memory_space<hbm>> -> memref<2x32xi32, #tpu.memory_space<hbm>>
      tpu.wait_dma2 semaphore(%run_scoped3A_85 : memref<!tpu.dma_semaphore, #tpu.memory_space<semaphore_mem>>) src(%dma_wait3A_108 : memref<2x32xi32, #tpu.memory_space<hbm>>) dst(%dma_wait3A_106 : memref<2x32xi32, #tpu.memory_space<vmem>>)
      tpu.yield
    }) : () -> ()
    %dma_start3A = arith.constant 0 : i32
    %dma_start3A_31 = arith.constant 0 : i32
    %dma_start3A_32 = arith.constant 0 : i32
    %dma_start3A_33 = arith.constant 0 : i32
    %dma_start3A_34 = arith.constant 0 : i32
    %dma_start3A_35 = tpu.memref_slice %arg11[%dma_start3A_32, %dma_start3A_33, %dma_start3A_34] : memref<2x32x256xf32, #tpu.memory_space<vmem>> -> memref<1x32x256xf32, #tpu.memory_space<vmem>>
    %dma_start3A_36 = tpu.memref_squeeze %dma_start3A_35 : memref<1x32x256xf32, #tpu.memory_space<vmem>> -> memref<32x256xf32, #tpu.memory_space<vmem>>
    %dma_start3A_37 = arith.constant 0 : i32
    %dma_start3A_38 = tpu.memref_slice %arg10[%dma_start3A, %dma_start3A_31, %dma_start3A_37] : memref<2x2x32xi32, #tpu.memory_space<vmem>> -> memref<1x1x32xi32, #tpu.memory_space<vmem>>
    %dma_start3A_39 = tpu.memref_squeeze %dma_start3A_38 : memref<1x1x32xi32, #tpu.memory_space<vmem>> -> memref<32xi32, #tpu.memory_space<vmem>>
    %dma_start3A_40 = arith.constant 0 : i32
    %dma_start3A_41 = arith.constant 0 : i32
    %dma_start3A_42 = tpu.memref_slice %arg3[%dma_start3A_40, %dma_start3A_41] : memref<10000x256xf32, #tpu.memory_space<hbm>> -> memref<10000x256xf32, #tpu.memory_space<hbm>>
    tpu.enqueue_indirect_dma source(%dma_start3A_42 : memref<10000x256xf32, #tpu.memory_space<hbm>>) target(%dma_start3A_36 : memref<32x256xf32, #tpu.memory_space<vmem>>) offsets(%dma_start3A_39 : memref<32xi32, #tpu.memory_space<vmem>>) semaphore(%arg18 : memref<!tpu.dma_semaphore, #tpu.memory_space<semaphore_mem>>)
    %dma_start3A_43 = arith.constant 0 : i32
    %dma_start3A_44 = arith.constant 1 : i32
    %dma_start3A_45 = arith.constant 0 : i32
    %dma_start3A_46 = arith.constant 0 : i32
    %dma_start3A_47 = arith.constant 0 : i32
    %dma_start3A_48 = tpu.memref_slice %arg12[%dma_start3A_45, %dma_start3A_46, %dma_start3A_47] : memref<2x32x256xf32, #tpu.memory_space<vmem>> -> memref<1x32x256xf32, #tpu.memory_space<vmem>>
    %dma_start3A_49 = tpu.memref_squeeze %dma_start3A_48 : memref<1x32x256xf32, #tpu.memory_space<vmem>> -> memref<32x256xf32, #tpu.memory_space<vmem>>
    %dma_start3A_50 = arith.constant 0 : i32
    %dma_start3A_51 = tpu.memref_slice %arg10[%dma_start3A_43, %dma_start3A_44, %dma_start3A_50] : memref<2x2x32xi32, #tpu.memory_space<vmem>> -> memref<1x1x32xi32, #tpu.memory_space<vmem>>
    %dma_start3A_52 = tpu.memref_squeeze %dma_start3A_51 : memref<1x1x32xi32, #tpu.memory_space<vmem>> -> memref<32xi32, #tpu.memory_space<vmem>>
    %dma_start3A_53 = arith.constant 0 : i32
    %dma_start3A_54 = arith.constant 0 : i32
    %dma_start3A_55 = tpu.memref_slice %arg4[%dma_start3A_53, %dma_start3A_54] : memref<10000x256xf32, #tpu.memory_space<hbm>> -> memref<10000x256xf32, #tpu.memory_space<hbm>>
    tpu.enqueue_indirect_dma source(%dma_start3A_55 : memref<10000x256xf32, #tpu.memory_space<hbm>>) target(%dma_start3A_49 : memref<32x256xf32, #tpu.memory_space<vmem>>) offsets(%dma_start3A_52 : memref<32xi32, #tpu.memory_space<vmem>>) semaphore(%arg18 : memref<!tpu.dma_semaphore, #tpu.memory_space<semaphore_mem>>)
    %dma_start3A_56 = arith.constant 0 : i32
    %dma_start3A_57 = arith.constant 0 : i32
    %dma_start3A_58 = arith.constant 0 : i32
    %dma_start3A_59 = tpu.memref_slice %arg13[%dma_start3A_56, %dma_start3A_57, %dma_start3A_58] : memref<2x32x128xf32, #tpu.memory_space<vmem>> -> memref<1x32x128xf32, #tpu.memory_space<vmem>>
    %dma_start3A_60 = tpu.memref_squeeze %dma_start3A_59 : memref<1x32x128xf32, #tpu.memory_space<vmem>> -> memref<32x128xf32, #tpu.memory_space<vmem>>
    %dma_start3A_61 = arith.constant 0 : i32
    %dma_start3A_62 = tpu.memref_slice %arg5[%add3A_30, %dma_start3A_61] : memref<320000x128xf32, #tpu.memory_space<hbm>> -> memref<32x128xf32, #tpu.memory_space<hbm>>
    %dma_start3A_63 = arith.constant 0 : i32
    %dma_start3A_64 = arith.constant 0 : i32
    %dma_start3A_65 = tpu.memref_slice %arg13[%dma_start3A_56, %dma_start3A_63, %dma_start3A_64] : memref<2x32x128xf32, #tpu.memory_space<vmem>> -> memref<1x32x128xf32, #tpu.memory_space<vmem>>
    %dma_start3A_66 = tpu.memref_squeeze %dma_start3A_65 : memref<1x32x128xf32, #tpu.memory_space<vmem>> -> memref<32x128xf32, #tpu.memory_space<vmem>>
    %dma_start3A_67 = arith.constant 0 : i32
    %dma_start3A_68 = tpu.memref_slice %arg5[%add3A_30, %dma_start3A_67] : memref<320000x128xf32, #tpu.memory_space<hbm>> -> memref<32x128xf32, #tpu.memory_space<hbm>>
    tpu.enqueue_dma source(%dma_start3A_68 : memref<32x128xf32, #tpu.memory_space<hbm>>) target(%dma_start3A_66 : memref<32x128xf32, #tpu.memory_space<vmem>>) target_semaphore(%arg18 : memref<!tpu.dma_semaphore, #tpu.memory_space<semaphore_mem>>)
    %scan3A = arith.constant 0 : i32
    %scan3A_69 = arith.constant 0 : i32
    %scan3A_70 = arith.constant 156 : i32
    %scan3A_71 = arith.addi %scan3A_69, %scan3A_70 : i32
    %scan3A_72 = arith.constant 1 : i32
    %scan3A_73 = scf.for %scan3A_85 = %scan3A_69 to %scan3A_71 step %scan3A_72 iter_args(%scan3A_86 = %scan3A) -> (i32)  : i32 {
      %mul3A_87 = arith.constant 2 : i32
      %mul3A_88 = arith.muli %mul3A_87, %scan3A_85 : i32
      %add3A_89 = arith.constant 1 : i32
      %add3A_90 = arith.addi %mul3A_88, %add3A_89 : i32
      %mul3A_91 = arith.constant 9984 : i32
      %mul3A_92 = arith.muli %add3A, %mul3A_91 : i32
      %mul3A_93 = arith.constant 32 : i32
      %mul3A_94 = arith.muli %add3A_90, %mul3A_93 : i32
      %add3A_95 = arith.addi %mul3A_92, %mul3A_94 : i32
      %run_scoped3A_96 = arith.constant 1 : i32
      "tpu.region"() ({
        %run_scoped3A_235 = tpu.sem_alloc : memref<!tpu.dma_semaphore, #tpu.memory_space<semaphore_mem>>
        %dma_start3A_236 = arith.constant 0 : i32
        %dma_start3A_237 = arith.constant 0 : i32
        %dma_start3A_238 = tpu.memref_slice %arg10[%run_scoped3A_96, %dma_start3A_236, %dma_start3A_237] : memref<2x2x32xi32, #tpu.memory_space<vmem>> -> memref<1x2x32xi32, #tpu.memory_space<vmem>>
        %dma_start3A_239 = tpu.memref_squeeze %dma_start3A_238 : memref<1x2x32xi32, #tpu.memory_space<vmem>> -> memref<2x32xi32, #tpu.memory_space<vmem>>
        %dma_start3A_240 = arith.constant 0 : i32
        %dma_start3A_241 = tpu.memref_slice %arg2[%dma_start3A_240, %add3A_95] : memref<2x320000xi32, #tpu.memory_space<hbm>> -> memref<2x32xi32, #tpu.memory_space<hbm>>
        %dma_start3A_242 = arith.constant 0 : i32
        %dma_start3A_243 = arith.constant 0 : i32
        %dma_start3A_244 = tpu.memref_slice %arg10[%run_scoped3A_96, %dma_start3A_242, %dma_start3A_243] : memref<2x2x32xi32, #tpu.memory_space<vmem>> -> memref<1x2x32xi32, #tpu.memory_space<vmem>>
        %dma_start3A_245 = tpu.memref_squeeze %dma_start3A_244 : memref<1x2x32xi32, #tpu.memory_space<vmem>> -> memref<2x32xi32, #tpu.memory_space<vmem>>
        %dma_start3A_246 = arith.constant 0 : i32
        %dma_start3A_247 = tpu.memref_slice %arg2[%dma_start3A_246, %add3A_95] : memref<2x320000xi32, #tpu.memory_space<hbm>> -> memref<2x32xi32, #tpu.memory_space<hbm>>
        tpu.enqueue_dma source(%dma_start3A_247 : memref<2x32xi32, #tpu.memory_space<hbm>>) target(%dma_start3A_245 : memref<2x32xi32, #tpu.memory_space<vmem>>) target_semaphore(%run_scoped3A_235 : memref<!tpu.dma_semaphore, #tpu.memory_space<semaphore_mem>>)
        %dma_wait3A_248 = arith.constant 0 : i32
        %dma_wait3A_249 = arith.constant 0 : i32
        %dma_wait3A_250 = tpu.memref_slice %arg10[%run_scoped3A_96, %dma_wait3A_248, %dma_wait3A_249] : memref<2x2x32xi32, #tpu.memory_space<vmem>> -> memref<1x2x32xi32, #tpu.memory_space<vmem>>
        %dma_wait3A_251 = tpu.memref_squeeze %dma_wait3A_250 : memref<1x2x32xi32, #tpu.memory_space<vmem>> -> memref<2x32xi32, #tpu.memory_space<vmem>>
        %dma_wait3A_252 = arith.constant 0 : i32
        %dma_wait3A_253 = tpu.memref_slice %arg2[%dma_wait3A_252, %add3A_95] : memref<2x320000xi32, #tpu.memory_space<hbm>> -> memref<2x32xi32, #tpu.memory_space<hbm>>
        %dma_wait3A_254 = arith.constant 0 : i32
        %dma_wait3A_255 = arith.constant 0 : i32
        %dma_wait3A_256 = tpu.memref_slice %arg10[%run_scoped3A_96, %dma_wait3A_254, %dma_wait3A_255] : memref<2x2x32xi32, #tpu.memory_space<vmem>> -> memref<1x2x32xi32, #tpu.memory_space<vmem>>
        %dma_wait3A_257 = tpu.memref_squeeze %dma_wait3A_256 : memref<1x2x32xi32, #tpu.memory_space<vmem>> -> memref<2x32xi32, #tpu.memory_space<vmem>>
        %dma_wait3A_258 = arith.constant 0 : i32
        %dma_wait3A_259 = tpu.memref_slice %arg2[%dma_wait3A_258, %add3A_95] : memref<2x320000xi32, #tpu.memory_space<hbm>> -> memref<2x32xi32, #tpu.memory_space<hbm>>
        tpu.wait_dma2 semaphore(%run_scoped3A_235 : memref<!tpu.dma_semaphore, #tpu.memory_space<semaphore_mem>>) src(%dma_wait3A_259 : memref<2x32xi32, #tpu.memory_space<hbm>>) dst(%dma_wait3A_257 : memref<2x32xi32, #tpu.memory_space<vmem>>)
        tpu.yield
      }) : () -> ()
      %dma_start3A_97 = arith.constant 1 : i32
      %dma_start3A_98 = arith.constant 0 : i32
      %dma_start3A_99 = arith.constant 1 : i32
      %dma_start3A_100 = arith.constant 0 : i32
      %dma_start3A_101 = arith.constant 0 : i32
      %dma_start3A_102 = tpu.memref_slice %arg11[%dma_start3A_99, %dma_start3A_100, %dma_start3A_101] : memref<2x32x256xf32, #tpu.memory_space<vmem>> -> memref<1x32x256xf32, #tpu.memory_space<vmem>>
      %dma_start3A_103 = tpu.memref_squeeze %dma_start3A_102 : memref<1x32x256xf32, #tpu.memory_space<vmem>> -> memref<32x256xf32, #tpu.memory_space<vmem>>
      %dma_start3A_104 = arith.constant 0 : i32
      %dma_start3A_105 = tpu.memref_slice %arg10[%dma_start3A_97, %dma_start3A_98, %dma_start3A_104] : memref<2x2x32xi32, #tpu.memory_space<vmem>> -> memref<1x1x32xi32, #tpu.memory_space<vmem>>
      %dma_start3A_106 = tpu.memref_squeeze %dma_start3A_105 : memref<1x1x32xi32, #tpu.memory_space<vmem>> -> memref<32xi32, #tpu.memory_space<vmem>>
      %dma_start3A_107 = arith.constant 0 : i32
      %dma_start3A_108 = arith.constant 0 : i32
      %dma_start3A_109 = tpu.memref_slice %arg3[%dma_start3A_107, %dma_start3A_108] : memref<10000x256xf32, #tpu.memory_space<hbm>> -> memref<10000x256xf32, #tpu.memory_space<hbm>>
      tpu.enqueue_indirect_dma source(%dma_start3A_109 : memref<10000x256xf32, #tpu.memory_space<hbm>>) target(%dma_start3A_103 : memref<32x256xf32, #tpu.memory_space<vmem>>) offsets(%dma_start3A_106 : memref<32xi32, #tpu.memory_space<vmem>>) semaphore(%arg19 : memref<!tpu.dma_semaphore, #tpu.memory_space<semaphore_mem>>)
      %dma_start3A_110 = arith.constant 1 : i32
      %dma_start3A_111 = arith.constant 1 : i32
      %dma_start3A_112 = arith.constant 1 : i32
      %dma_start3A_113 = arith.constant 0 : i32
      %dma_start3A_114 = arith.constant 0 : i32
      %dma_start3A_115 = tpu.memref_slice %arg12[%dma_start3A_112, %dma_start3A_113, %dma_start3A_114] : memref<2x32x256xf32, #tpu.memory_space<vmem>> -> memref<1x32x256xf32, #tpu.memory_space<vmem>>
      %dma_start3A_116 = tpu.memref_squeeze %dma_start3A_115 : memref<1x32x256xf32, #tpu.memory_space<vmem>> -> memref<32x256xf32, #tpu.memory_space<vmem>>
      %dma_start3A_117 = arith.constant 0 : i32
      %dma_start3A_118 = tpu.memref_slice %arg10[%dma_start3A_110, %dma_start3A_111, %dma_start3A_117] : memref<2x2x32xi32, #tpu.memory_space<vmem>> -> memref<1x1x32xi32, #tpu.memory_space<vmem>>
      %dma_start3A_119 = tpu.memref_squeeze %dma_start3A_118 : memref<1x1x32xi32, #tpu.memory_space<vmem>> -> memref<32xi32, #tpu.memory_space<vmem>>
      %dma_start3A_120 = arith.constant 0 : i32
      %dma_start3A_121 = arith.constant 0 : i32
      %dma_start3A_122 = tpu.memref_slice %arg4[%dma_start3A_120, %dma_start3A_121] : memref<10000x256xf32, #tpu.memory_space<hbm>> -> memref<10000x256xf32, #tpu.memory_space<hbm>>
      tpu.enqueue_indirect_dma source(%dma_start3A_122 : memref<10000x256xf32, #tpu.memory_space<hbm>>) target(%dma_start3A_116 : memref<32x256xf32, #tpu.memory_space<vmem>>) offsets(%dma_start3A_119 : memref<32xi32, #tpu.memory_space<vmem>>) semaphore(%arg19 : memref<!tpu.dma_semaphore, #tpu.memory_space<semaphore_mem>>)
      %dma_start3A_123 = arith.constant 1 : i32
      %dma_start3A_124 = arith.constant 0 : i32
      %dma_start3A_125 = arith.constant 0 : i32
      %dma_start3A_126 = tpu.memref_slice %arg13[%dma_start3A_123, %dma_start3A_124, %dma_start3A_125] : memref<2x32x128xf32, #tpu.memory_space<vmem>> -> memref<1x32x128xf32, #tpu.memory_space<vmem>>
      %dma_start3A_127 = tpu.memref_squeeze %dma_start3A_126 : memref<1x32x128xf32, #tpu.memory_space<vmem>> -> memref<32x128xf32, #tpu.memory_space<vmem>>
      %dma_start3A_128 = arith.constant 0 : i32
      %dma_start3A_129 = tpu.memref_slice %arg5[%add3A_95, %dma_start3A_128] : memref<320000x128xf32, #tpu.memory_space<hbm>> -> memref<32x128xf32, #tpu.memory_space<hbm>>
      %dma_start3A_130 = arith.constant 0 : i32
      %dma_start3A_131 = arith.constant 0 : i32
      %dma_start3A_132 = tpu.memref_slice %arg13[%dma_start3A_123, %dma_start3A_130, %dma_start3A_131] : memref<2x32x128xf32, #tpu.memory_space<vmem>> -> memref<1x32x128xf32, #tpu.memory_space<vmem>>
      %dma_start3A_133 = tpu.memref_squeeze %dma_start3A_132 : memref<1x32x128xf32, #tpu.memory_space<vmem>> -> memref<32x128xf32, #tpu.memory_space<vmem>>
      %dma_start3A_134 = arith.constant 0 : i32
      %dma_start3A_135 = tpu.memref_slice %arg5[%add3A_95, %dma_start3A_134] : memref<320000x128xf32, #tpu.memory_space<hbm>> -> memref<32x128xf32, #tpu.memory_space<hbm>>
      tpu.enqueue_dma source(%dma_start3A_135 : memref<32x128xf32, #tpu.memory_space<hbm>>) target(%dma_start3A_133 : memref<32x128xf32, #tpu.memory_space<vmem>>) target_semaphore(%arg19 : memref<!tpu.dma_semaphore, #tpu.memory_space<semaphore_mem>>)
      %mul3A_136 = arith.constant 9984 : i32
      %mul3A_137 = arith.muli %add3A, %mul3A_136 : i32
      %mul3A_138 = arith.constant 32 : i32
      %mul3A_139 = arith.muli %mul3A_88, %mul3A_138 : i32
      %add3A_140 = arith.addi %mul3A_137, %mul3A_139 : i32
      %dma_wait3A = arith.constant 0 : i32
      %dma_wait3A_141 = arith.constant 0 : i32
      %dma_wait3A_142 = arith.constant 0 : i32
      %dma_wait3A_143 = arith.constant 0 : i32
      %dma_wait3A_144 = arith.constant 0 : i32
      %dma_wait3A_145 = tpu.memref_slice %arg11[%dma_wait3A_142, %dma_wait3A_143, %dma_wait3A_144] : memref<2x32x256xf32, #tpu.memory_space<vmem>> -> memref<1x32x256xf32, #tpu.memory_space<vmem>>
      %dma_wait3A_146 = tpu.memref_squeeze %dma_wait3A_145 : memref<1x32x256xf32, #tpu.memory_space<vmem>> -> memref<32x256xf32, #tpu.memory_space<vmem>>
      %dma_wait3A_147 = arith.constant 0 : i32
      %dma_wait3A_148 = tpu.memref_slice %arg10[%dma_wait3A, %dma_wait3A_141, %dma_wait3A_147] : memref<2x2x32xi32, #tpu.memory_space<vmem>> -> memref<1x1x32xi32, #tpu.memory_space<vmem>>
      %dma_wait3A_149 = tpu.memref_squeeze %dma_wait3A_148 : memref<1x1x32xi32, #tpu.memory_space<vmem>> -> memref<32xi32, #tpu.memory_space<vmem>>
      %dma_wait3A_150 = arith.constant 0 : i32
      %dma_wait3A_151 = arith.constant 0 : i32
      %dma_wait3A_152 = tpu.memref_slice %arg3[%dma_wait3A_150, %dma_wait3A_151] : memref<10000x256xf32, #tpu.memory_space<hbm>> -> memref<10000x256xf32, #tpu.memory_space<hbm>>
      tpu.wait_indirect_dma semaphore(%arg18 : memref<!tpu.dma_semaphore, #tpu.memory_space<semaphore_mem>>) src(%dma_wait3A_152 : memref<10000x256xf32, #tpu.memory_space<hbm>>) dst(%dma_wait3A_146 : memref<32x256xf32, #tpu.memory_space<vmem>>)
      %dma_wait3A_153 = arith.constant 0 : i32
      %dma_wait3A_154 = arith.constant 1 : i32
      %dma_wait3A_155 = arith.constant 0 : i32
      %dma_wait3A_156 = arith.constant 0 : i32
      %dma_wait3A_157 = arith.constant 0 : i32
      %dma_wait3A_158 = tpu.memref_slice %arg12[%dma_wait3A_155, %dma_wait3A_156, %dma_wait3A_157] : memref<2x32x256xf32, #tpu.memory_space<vmem>> -> memref<1x32x256xf32, #tpu.memory_space<vmem>>
      %dma_wait3A_159 = tpu.memref_squeeze %dma_wait3A_158 : memref<1x32x256xf32, #tpu.memory_space<vmem>> -> memref<32x256xf32, #tpu.memory_space<vmem>>
      %dma_wait3A_160 = arith.constant 0 : i32
      %dma_wait3A_161 = tpu.memref_slice %arg10[%dma_wait3A_153, %dma_wait3A_154, %dma_wait3A_160] : memref<2x2x32xi32, #tpu.memory_space<vmem>> -> memref<1x1x32xi32, #tpu.memory_space<vmem>>
      %dma_wait3A_162 = tpu.memref_squeeze %dma_wait3A_161 : memref<1x1x32xi32, #tpu.memory_space<vmem>> -> memref<32xi32, #tpu.memory_space<vmem>>
      %dma_wait3A_163 = arith.constant 0 : i32
      %dma_wait3A_164 = arith.constant 0 : i32
      %dma_wait3A_165 = tpu.memref_slice %arg4[%dma_wait3A_163, %dma_wait3A_164] : memref<10000x256xf32, #tpu.memory_space<hbm>> -> memref<10000x256xf32, #tpu.memory_space<hbm>>
      tpu.wait_indirect_dma semaphore(%arg18 : memref<!tpu.dma_semaphore, #tpu.memory_space<semaphore_mem>>) src(%dma_wait3A_165 : memref<10000x256xf32, #tpu.memory_space<hbm>>) dst(%dma_wait3A_159 : memref<32x256xf32, #tpu.memory_space<vmem>>)
      %dma_wait3A_166 = arith.constant 0 : i32
      %dma_wait3A_167 = arith.constant 0 : i32
      %dma_wait3A_168 = arith.constant 0 : i32
      %dma_wait3A_169 = tpu.memref_slice %arg13[%dma_wait3A_166, %dma_wait3A_167, %dma_wait3A_168] : memref<2x32x128xf32, #tpu.memory_space<vmem>> -> memref<1x32x128xf32, #tpu.memory_space<vmem>>
      %dma_wait3A_170 = tpu.memref_squeeze %dma_wait3A_169 : memref<1x32x128xf32, #tpu.memory_space<vmem>> -> memref<32x128xf32, #tpu.memory_space<vmem>>
      %dma_wait3A_171 = arith.constant 0 : i32
      %dma_wait3A_172 = tpu.memref_slice %arg5[%add3A_140, %dma_wait3A_171] : memref<320000x128xf32, #tpu.memory_space<hbm>> -> memref<32x128xf32, #tpu.memory_space<hbm>>
      %dma_wait3A_173 = arith.constant 0 : i32
      %dma_wait3A_174 = arith.constant 0 : i32
      %dma_wait3A_175 = tpu.memref_slice %arg13[%dma_wait3A_166, %dma_wait3A_173, %dma_wait3A_174] : memref<2x32x128xf32, #tpu.memory_space<vmem>> -> memref<1x32x128xf32, #tpu.memory_space<vmem>>
      %dma_wait3A_176 = tpu.memref_squeeze %dma_wait3A_175 : memref<1x32x128xf32, #tpu.memory_space<vmem>> -> memref<32x128xf32, #tpu.memory_space<vmem>>
      %dma_wait3A_177 = arith.constant 0 : i32
      %dma_wait3A_178 = tpu.memref_slice %arg5[%add3A_140, %dma_wait3A_177] : memref<320000x128xf32, #tpu.memory_space<hbm>> -> memref<32x128xf32, #tpu.memory_space<hbm>>
      tpu.wait_dma2 semaphore(%arg18 : memref<!tpu.dma_semaphore, #tpu.memory_space<semaphore_mem>>) src(%dma_wait3A_178 : memref<32x128xf32, #tpu.memory_space<hbm>>) dst(%dma_wait3A_176 : memref<32x128xf32, #tpu.memory_space<vmem>>)
      %run_scoped3A_179 = arith.constant 0 : i32
      %run_scoped3A_180 = arith.constant 0 : i32
      "tpu.region"() ({
        %run_scoped3A_235 = tpu.sem_alloc : memref<!tpu.dma_semaphore, #tpu.memory_space<semaphore_mem>>
        %dma_start3A_236 = arith.constant 0 : i32
        %dma_start3A_237 = tpu.memref_slice %arg10[%run_scoped3A_179, %run_scoped3A_180, %dma_start3A_236] : memref<2x2x32xi32, #tpu.memory_space<vmem>> -> memref<1x1x32xi32, #tpu.memory_space<vmem>>
        %dma_start3A_238 = tpu.memref_squeeze %dma_start3A_237 : memref<1x1x32xi32, #tpu.memory_space<vmem>> -> memref<32xi32, #tpu.memory_space<vmem>>
        %dma_start3A_239 = arith.constant 0 : i32
        %dma_start3A_240 = arith.constant 0 : i32
        %dma_start3A_241 = tpu.memref_slice %arg17[%dma_start3A_239, %dma_start3A_240] : memref<10000x128xf32, #tpu.memory_space<vmem_shared>> -> memref<10000x128xf32, #tpu.memory_space<vmem_shared>>
        tpu.enqueue_indirect_dma source(%arg14 : memref<32x128xf32, #tpu.memory_space<vmem>>) target(%dma_start3A_241 : memref<10000x128xf32, #tpu.memory_space<vmem_shared>>) offsets(%dma_start3A_238 : memref<32xi32, #tpu.memory_space<vmem>>) semaphore(%run_scoped3A_235 : memref<!tpu.dma_semaphore, #tpu.memory_space<semaphore_mem>>) {add = true}
        %dma_wait3A_242 = arith.constant 0 : i32
        %dma_wait3A_243 = tpu.memref_slice %arg10[%run_scoped3A_179, %run_scoped3A_180, %dma_wait3A_242] : memref<2x2x32xi32, #tpu.memory_space<vmem>> -> memref<1x1x32xi32, #tpu.memory_space<vmem>>
        %dma_wait3A_244 = tpu.memref_squeeze %dma_wait3A_243 : memref<1x1x32xi32, #tpu.memory_space<vmem>> -> memref<32xi32, #tpu.memory_space<vmem>>
        %dma_wait3A_245 = arith.constant 0 : i32
        %dma_wait3A_246 = arith.constant 0 : i32
        %dma_wait3A_247 = tpu.memref_slice %arg17[%dma_wait3A_245, %dma_wait3A_246] : memref<10000x128xf32, #tpu.memory_space<vmem_shared>> -> memref<10000x128xf32, #tpu.memory_space<vmem_shared>>
        tpu.wait_indirect_dma semaphore(%run_scoped3A_235 : memref<!tpu.dma_semaphore, #tpu.memory_space<semaphore_mem>>) src(%arg14 : memref<32x128xf32, #tpu.memory_space<vmem>>) dst(%dma_wait3A_247 : memref<10000x128xf32, #tpu.memory_space<vmem_shared>>)
        tpu.yield
      }) : () -> ()
      %lt3A_181 = arith.constant 155 : i32
      %lt3A_182 = arith.cmpi slt, %scan3A_85, %lt3A_181 : i32
      %convert_element_type3A_183 = arith.extui %lt3A_182 : i1 to i32
      %cond3A_184 = arith.constant 0 : i32
      %cond3A_185 = arith.cmpi ne, %convert_element_type3A_183, %cond3A_184 : i32
      scf.if %cond3A_185 {
        %add3A_235 = arith.constant 2 : i32
        %add3A_236 = arith.addi %mul3A_88, %add3A_235 : i32
        %mul3A_237 = arith.constant 9984 : i32
        %mul3A_238 = arith.muli %add3A, %mul3A_237 : i32
        %mul3A_239 = arith.constant 32 : i32
        %mul3A_240 = arith.muli %add3A_236, %mul3A_239 : i32
        %add3A_241 = arith.addi %mul3A_238, %mul3A_240 : i32
        %run_scoped3A_242 = arith.constant 0 : i32
        "tpu.region"() ({
          %run_scoped3A_282 = tpu.sem_alloc : memref<!tpu.dma_semaphore, #tpu.memory_space<semaphore_mem>>
          %dma_start3A_283 = arith.constant 0 : i32
          %dma_start3A_284 = arith.constant 0 : i32
          %dma_start3A_285 = tpu.memref_slice %arg10[%run_scoped3A_242, %dma_start3A_283, %dma_start3A_284] : memref<2x2x32xi32, #tpu.memory_space<vmem>> -> memref<1x2x32xi32, #tpu.memory_space<vmem>>
          %dma_start3A_286 = tpu.memref_squeeze %dma_start3A_285 : memref<1x2x32xi32, #tpu.memory_space<vmem>> -> memref<2x32xi32, #tpu.memory_space<vmem>>
          %dma_start3A_287 = arith.constant 0 : i32
          %dma_start3A_288 = tpu.memref_slice %arg2[%dma_start3A_287, %add3A_241] : memref<2x320000xi32, #tpu.memory_space<hbm>> -> memref<2x32xi32, #tpu.memory_space<hbm>>
          %dma_start3A_289 = arith.constant 0 : i32
          %dma_start3A_290 = arith.constant 0 : i32
          %dma_start3A_291 = tpu.memref_slice %arg10[%run_scoped3A_242, %dma_start3A_289, %dma_start3A_290] : memref<2x2x32xi32, #tpu.memory_space<vmem>> -> memref<1x2x32xi32, #tpu.memory_space<vmem>>
          %dma_start3A_292 = tpu.memref_squeeze %dma_start3A_291 : memref<1x2x32xi32, #tpu.memory_space<vmem>> -> memref<2x32xi32, #tpu.memory_space<vmem>>
          %dma_start3A_293 = arith.constant 0 : i32
          %dma_start3A_294 = tpu.memref_slice %arg2[%dma_start3A_293, %add3A_241] : memref<2x320000xi32, #tpu.memory_space<hbm>> -> memref<2x32xi32, #tpu.memory_space<hbm>>
          tpu.enqueue_dma source(%dma_start3A_294 : memref<2x32xi32, #tpu.memory_space<hbm>>) target(%dma_start3A_292 : memref<2x32xi32, #tpu.memory_space<vmem>>) target_semaphore(%run_scoped3A_282 : memref<!tpu.dma_semaphore, #tpu.memory_space<semaphore_mem>>)
          %dma_wait3A_295 = arith.constant 0 : i32
          %dma_wait3A_296 = arith.constant 0 : i32
          %dma_wait3A_297 = tpu.memref_slice %arg10[%run_scoped3A_242, %dma_wait3A_295, %dma_wait3A_296] : memref<2x2x32xi32, #tpu.memory_space<vmem>> -> memref<1x2x32xi32, #tpu.memory_space<vmem>>
          %dma_wait3A_298 = tpu.memref_squeeze %dma_wait3A_297 : memref<1x2x32xi32, #tpu.memory_space<vmem>> -> memref<2x32xi32, #tpu.memory_space<vmem>>
          %dma_wait3A_299 = arith.constant 0 : i32
          %dma_wait3A_300 = tpu.memref_slice %arg2[%dma_wait3A_299, %add3A_241] : memref<2x320000xi32, #tpu.memory_space<hbm>> -> memref<2x32xi32, #tpu.memory_space<hbm>>
          %dma_wait3A_301 = arith.constant 0 : i32
          %dma_wait3A_302 = arith.constant 0 : i32
          %dma_wait3A_303 = tpu.memref_slice %arg10[%run_scoped3A_242, %dma_wait3A_301, %dma_wait3A_302] : memref<2x2x32xi32, #tpu.memory_space<vmem>> -> memref<1x2x32xi32, #tpu.memory_space<vmem>>
          %dma_wait3A_304 = tpu.memref_squeeze %dma_wait3A_303 : memref<1x2x32xi32, #tpu.memory_space<vmem>> -> memref<2x32xi32, #tpu.memory_space<vmem>>
          %dma_wait3A_305 = arith.constant 0 : i32
          %dma_wait3A_306 = tpu.memref_slice %arg2[%dma_wait3A_305, %add3A_241] : memref<2x320000xi32, #tpu.memory_space<hbm>> -> memref<2x32xi32, #tpu.memory_space<hbm>>
          tpu.wait_dma2 semaphore(%run_scoped3A_282 : memref<!tpu.dma_semaphore, #tpu.memory_space<semaphore_mem>>) src(%dma_wait3A_306 : memref<2x32xi32, #tpu.memory_space<hbm>>) dst(%dma_wait3A_304 : memref<2x32xi32, #tpu.memory_space<vmem>>)
          tpu.yield
        }) : () -> ()
        %dma_start3A_243 = arith.constant 0 : i32
        %dma_start3A_244 = arith.constant 0 : i32
        %dma_start3A_245 = arith.constant 0 : i32
        %dma_start3A_246 = arith.constant 0 : i32
        %dma_start3A_247 = arith.constant 0 : i32
        %dma_start3A_248 = tpu.memref_slice %arg11[%dma_start3A_245, %dma_start3A_246, %dma_start3A_247] : memref<2x32x256xf32, #tpu.memory_space<vmem>> -> memref<1x32x256xf32, #tpu.memory_space<vmem>>
        %dma_start3A_249 = tpu.memref_squeeze %dma_start3A_248 : memref<1x32x256xf32, #tpu.memory_space<vmem>> -> memref<32x256xf32, #tpu.memory_space<vmem>>
        %dma_start3A_250 = arith.constant 0 : i32
        %dma_start3A_251 = tpu.memref_slice %arg10[%dma_start3A_243, %dma_start3A_244, %dma_start3A_250] : memref<2x2x32xi32, #tpu.memory_space<vmem>> -> memref<1x1x32xi32, #tpu.memory_space<vmem>>
        %dma_start3A_252 = tpu.memref_squeeze %dma_start3A_251 : memref<1x1x32xi32, #tpu.memory_space<vmem>> -> memref<32xi32, #tpu.memory_space<vmem>>
        %dma_start3A_253 = arith.constant 0 : i32
        %dma_start3A_254 = arith.constant 0 : i32
        %dma_start3A_255 = tpu.memref_slice %arg3[%dma_start3A_253, %dma_start3A_254] : memref<10000x256xf32, #tpu.memory_space<hbm>> -> memref<10000x256xf32, #tpu.memory_space<hbm>>
        tpu.enqueue_indirect_dma source(%dma_start3A_255 : memref<10000x256xf32, #tpu.memory_space<hbm>>) target(%dma_start3A_249 : memref<32x256xf32, #tpu.memory_space<vmem>>) offsets(%dma_start3A_252 : memref<32xi32, #tpu.memory_space<vmem>>) semaphore(%arg18 : memref<!tpu.dma_semaphore, #tpu.memory_space<semaphore_mem>>)
        %dma_start3A_256 = arith.constant 0 : i32
        %dma_start3A_257 = arith.constant 1 : i32
        %dma_start3A_258 = arith.constant 0 : i32
        %dma_start3A_259 = arith.constant 0 : i32
        %dma_start3A_260 = arith.constant 0 : i32
        %dma_start3A_261 = tpu.memref_slice %arg12[%dma_start3A_258, %dma_start3A_259, %dma_start3A_260] : memref<2x32x256xf32, #tpu.memory_space<vmem>> -> memref<1x32x256xf32, #tpu.memory_space<vmem>>
        %dma_start3A_262 = tpu.memref_squeeze %dma_start3A_261 : memref<1x32x256xf32, #tpu.memory_space<vmem>> -> memref<32x256xf32, #tpu.memory_space<vmem>>
        %dma_start3A_263 = arith.constant 0 : i32
        %dma_start3A_264 = tpu.memref_slice %arg10[%dma_start3A_256, %dma_start3A_257, %dma_start3A_263] : memref<2x2x32xi32, #tpu.memory_space<vmem>> -> memref<1x1x32xi32, #tpu.memory_space<vmem>>
        %dma_start3A_265 = tpu.memref_squeeze %dma_start3A_264 : memref<1x1x32xi32, #tpu.memory_space<vmem>> -> memref<32xi32, #tpu.memory_space<vmem>>
        %dma_start3A_266 = arith.constant 0 : i32
        %dma_start3A_267 = arith.constant 0 : i32
        %dma_start3A_268 = tpu.memref_slice %arg4[%dma_start3A_266, %dma_start3A_267] : memref<10000x256xf32, #tpu.memory_space<hbm>> -> memref<10000x256xf32, #tpu.memory_space<hbm>>
        tpu.enqueue_indirect_dma source(%dma_start3A_268 : memref<10000x256xf32, #tpu.memory_space<hbm>>) target(%dma_start3A_262 : memref<32x256xf32, #tpu.memory_space<vmem>>) offsets(%dma_start3A_265 : memref<32xi32, #tpu.memory_space<vmem>>) semaphore(%arg18 : memref<!tpu.dma_semaphore, #tpu.memory_space<semaphore_mem>>)
        %dma_start3A_269 = arith.constant 0 : i32
        %dma_start3A_270 = arith.constant 0 : i32
        %dma_start3A_271 = arith.constant 0 : i32
        %dma_start3A_272 = tpu.memref_slice %arg13[%dma_start3A_269, %dma_start3A_270, %dma_start3A_271] : memref<2x32x128xf32, #tpu.memory_space<vmem>> -> memref<1x32x128xf32, #tpu.memory_space<vmem>>
        %dma_start3A_273 = tpu.memref_squeeze %dma_start3A_272 : memref<1x32x128xf32, #tpu.memory_space<vmem>> -> memref<32x128xf32, #tpu.memory_space<vmem>>
        %dma_start3A_274 = arith.constant 0 : i32
        %dma_start3A_275 = tpu.memref_slice %arg5[%add3A_241, %dma_start3A_274] : memref<320000x128xf32, #tpu.memory_space<hbm>> -> memref<32x128xf32, #tpu.memory_space<hbm>>
        %dma_start3A_276 = arith.constant 0 : i32
        %dma_start3A_277 = arith.constant 0 : i32
        %dma_start3A_278 = tpu.memref_slice %arg13[%dma_start3A_269, %dma_start3A_276, %dma_start3A_277] : memref<2x32x128xf32, #tpu.memory_space<vmem>> -> memref<1x32x128xf32, #tpu.memory_space<vmem>>
        %dma_start3A_279 = tpu.memref_squeeze %dma_start3A_278 : memref<1x32x128xf32, #tpu.memory_space<vmem>> -> memref<32x128xf32, #tpu.memory_space<vmem>>
        %dma_start3A_280 = arith.constant 0 : i32
        %dma_start3A_281 = tpu.memref_slice %arg5[%add3A_241, %dma_start3A_280] : memref<320000x128xf32, #tpu.memory_space<hbm>> -> memref<32x128xf32, #tpu.memory_space<hbm>>
        tpu.enqueue_dma source(%dma_start3A_281 : memref<32x128xf32, #tpu.memory_space<hbm>>) target(%dma_start3A_279 : memref<32x128xf32, #tpu.memory_space<vmem>>) target_semaphore(%arg18 : memref<!tpu.dma_semaphore, #tpu.memory_space<semaphore_mem>>)
      } else {
      }
      %add3A_186 = arith.constant 1 : i32
      %add3A_187 = arith.addi %mul3A_88, %add3A_186 : i32
      %mul3A_188 = arith.constant 9984 : i32
      %mul3A_189 = arith.muli %add3A, %mul3A_188 : i32
      %mul3A_190 = arith.constant 32 : i32
      %mul3A_191 = arith.muli %add3A_187, %mul3A_190 : i32
      %add3A_192 = arith.addi %mul3A_189, %mul3A_191 : i32
      %dma_wait3A_193 = arith.constant 1 : i32
      %dma_wait3A_194 = arith.constant 0 : i32
      %dma_wait3A_195 = arith.constant 1 : i32
      %dma_wait3A_196 = arith.constant 0 : i32
      %dma_wait3A_197 = arith.constant 0 : i32
      %dma_wait3A_198 = tpu.memref_slice %arg11[%dma_wait3A_195, %dma_wait3A_196, %dma_wait3A_197] : memref<2x32x256xf32, #tpu.memory_space<vmem>> -> memref<1x32x256xf32, #tpu.memory_space<vmem>>
      %dma_wait3A_199 = tpu.memref_squeeze %dma_wait3A_198 : memref<1x32x256xf32, #tpu.memory_space<vmem>> -> memref<32x256xf32, #tpu.memory_space<vmem>>
      %dma_wait3A_200 = arith.constant 0 : i32
      %dma_wait3A_201 = tpu.memref_slice %arg10[%dma_wait3A_193, %dma_wait3A_194, %dma_wait3A_200] : memref<2x2x32xi32, #tpu.memory_space<vmem>> -> memref<1x1x32xi32, #tpu.memory_space<vmem>>
      %dma_wait3A_202 = tpu.memref_squeeze %dma_wait3A_201 : memref<1x1x32xi32, #tpu.memory_space<vmem>> -> memref<32xi32, #tpu.memory_space<vmem>>
      %dma_wait3A_203 = arith.constant 0 : i32
      %dma_wait3A_204 = arith.constant 0 : i32
      %dma_wait3A_205 = tpu.memref_slice %arg3[%dma_wait3A_203, %dma_wait3A_204] : memref<10000x256xf32, #tpu.memory_space<hbm>> -> memref<10000x256xf32, #tpu.memory_space<hbm>>
      tpu.wait_indirect_dma semaphore(%arg19 : memref<!tpu.dma_semaphore, #tpu.memory_space<semaphore_mem>>) src(%dma_wait3A_205 : memref<10000x256xf32, #tpu.memory_space<hbm>>) dst(%dma_wait3A_199 : memref<32x256xf32, #tpu.memory_space<vmem>>)
      %dma_wait3A_206 = arith.constant 1 : i32
      %dma_wait3A_207 = arith.constant 1 : i32
      %dma_wait3A_208 = arith.constant 1 : i32
      %dma_wait3A_209 = arith.constant 0 : i32
      %dma_wait3A_210 = arith.constant 0 : i32
      %dma_wait3A_211 = tpu.memref_slice %arg12[%dma_wait3A_208, %dma_wait3A_209, %dma_wait3A_210] : memref<2x32x256xf32, #tpu.memory_space<vmem>> -> memref<1x32x256xf32, #tpu.memory_space<vmem>>
      %dma_wait3A_212 = tpu.memref_squeeze %dma_wait3A_211 : memref<1x32x256xf32, #tpu.memory_space<vmem>> -> memref<32x256xf32, #tpu.memory_space<vmem>>
      %dma_wait3A_213 = arith.constant 0 : i32
      %dma_wait3A_214 = tpu.memref_slice %arg10[%dma_wait3A_206, %dma_wait3A_207, %dma_wait3A_213] : memref<2x2x32xi32, #tpu.memory_space<vmem>> -> memref<1x1x32xi32, #tpu.memory_space<vmem>>
      %dma_wait3A_215 = tpu.memref_squeeze %dma_wait3A_214 : memref<1x1x32xi32, #tpu.memory_space<vmem>> -> memref<32xi32, #tpu.memory_space<vmem>>
      %dma_wait3A_216 = arith.constant 0 : i32
      %dma_wait3A_217 = arith.constant 0 : i32
      %dma_wait3A_218 = tpu.memref_slice %arg4[%dma_wait3A_216, %dma_wait3A_217] : memref<10000x256xf32, #tpu.memory_space<hbm>> -> memref<10000x256xf32, #tpu.memory_space<hbm>>
      tpu.wait_indirect_dma semaphore(%arg19 : memref<!tpu.dma_semaphore, #tpu.memory_space<semaphore_mem>>) src(%dma_wait3A_218 : memref<10000x256xf32, #tpu.memory_space<hbm>>) dst(%dma_wait3A_212 : memref<32x256xf32, #tpu.memory_space<vmem>>)
      %dma_wait3A_219 = arith.constant 1 : i32
      %dma_wait3A_220 = arith.constant 0 : i32
      %dma_wait3A_221 = arith.constant 0 : i32
      %dma_wait3A_222 = tpu.memref_slice %arg13[%dma_wait3A_219, %dma_wait3A_220, %dma_wait3A_221] : memref<2x32x128xf32, #tpu.memory_space<vmem>> -> memref<1x32x128xf32, #tpu.memory_space<vmem>>
      %dma_wait3A_223 = tpu.memref_squeeze %dma_wait3A_222 : memref<1x32x128xf32, #tpu.memory_space<vmem>> -> memref<32x128xf32, #tpu.memory_space<vmem>>
      %dma_wait3A_224 = arith.constant 0 : i32
      %dma_wait3A_225 = tpu.memref_slice %arg5[%add3A_192, %dma_wait3A_224] : memref<320000x128xf32, #tpu.memory_space<hbm>> -> memref<32x128xf32, #tpu.memory_space<hbm>>
      %dma_wait3A_226 = arith.constant 0 : i32
      %dma_wait3A_227 = arith.constant 0 : i32
      %dma_wait3A_228 = tpu.memref_slice %arg13[%dma_wait3A_219, %dma_wait3A_226, %dma_wait3A_227] : memref<2x32x128xf32, #tpu.memory_space<vmem>> -> memref<1x32x128xf32, #tpu.memory_space<vmem>>
      %dma_wait3A_229 = tpu.memref_squeeze %dma_wait3A_228 : memref<1x32x128xf32, #tpu.memory_space<vmem>> -> memref<32x128xf32, #tpu.memory_space<vmem>>
      %dma_wait3A_230 = arith.constant 0 : i32
      %dma_wait3A_231 = tpu.memref_slice %arg5[%add3A_192, %dma_wait3A_230] : memref<320000x128xf32, #tpu.memory_space<hbm>> -> memref<32x128xf32, #tpu.memory_space<hbm>>
      tpu.wait_dma2 semaphore(%arg19 : memref<!tpu.dma_semaphore, #tpu.memory_space<semaphore_mem>>) src(%dma_wait3A_231 : memref<32x128xf32, #tpu.memory_space<hbm>>) dst(%dma_wait3A_229 : memref<32x128xf32, #tpu.memory_space<vmem>>)
      %run_scoped3A_232 = arith.constant 1 : i32
      %run_scoped3A_233 = arith.constant 0 : i32
      "tpu.region"() ({
        %run_scoped3A_235 = tpu.sem_alloc : memref<!tpu.dma_semaphore, #tpu.memory_space<semaphore_mem>>
        %dma_start3A_236 = arith.constant 0 : i32
        %dma_start3A_237 = tpu.memref_slice %arg10[%run_scoped3A_232, %run_scoped3A_233, %dma_start3A_236] : memref<2x2x32xi32, #tpu.memory_space<vmem>> -> memref<1x1x32xi32, #tpu.memory_space<vmem>>
        %dma_start3A_238 = tpu.memref_squeeze %dma_start3A_237 : memref<1x1x32xi32, #tpu.memory_space<vmem>> -> memref<32xi32, #tpu.memory_space<vmem>>
        %dma_start3A_239 = arith.constant 0 : i32
        %dma_start3A_240 = arith.constant 0 : i32
        %dma_start3A_241 = tpu.memref_slice %arg17[%dma_start3A_239, %dma_start3A_240] : memref<10000x128xf32, #tpu.memory_space<vmem_shared>> -> memref<10000x128xf32, #tpu.memory_space<vmem_shared>>
        tpu.enqueue_indirect_dma source(%arg14 : memref<32x128xf32, #tpu.memory_space<vmem>>) target(%dma_start3A_241 : memref<10000x128xf32, #tpu.memory_space<vmem_shared>>) offsets(%dma_start3A_238 : memref<32xi32, #tpu.memory_space<vmem>>) semaphore(%run_scoped3A_235 : memref<!tpu.dma_semaphore, #tpu.memory_space<semaphore_mem>>) {add = true}
        %dma_wait3A_242 = arith.constant 0 : i32
        %dma_wait3A_243 = tpu.memref_slice %arg10[%run_scoped3A_232, %run_scoped3A_233, %dma_wait3A_242] : memref<2x2x32xi32, #tpu.memory_space<vmem>> -> memref<1x1x32xi32, #tpu.memory_space<vmem>>
        %dma_wait3A_244 = tpu.memref_squeeze %dma_wait3A_243 : memref<1x1x32xi32, #tpu.memory_space<vmem>> -> memref<32xi32, #tpu.memory_space<vmem>>
        %dma_wait3A_245 = arith.constant 0 : i32
        %dma_wait3A_246 = arith.constant 0 : i32
        %dma_wait3A_247 = tpu.memref_slice %arg17[%dma_wait3A_245, %dma_wait3A_246] : memref<10000x128xf32, #tpu.memory_space<vmem_shared>> -> memref<10000x128xf32, #tpu.memory_space<vmem_shared>>
        tpu.wait_indirect_dma semaphore(%run_scoped3A_235 : memref<!tpu.dma_semaphore, #tpu.memory_space<semaphore_mem>>) src(%arg14 : memref<32x128xf32, #tpu.memory_space<vmem>>) dst(%dma_wait3A_247 : memref<10000x128xf32, #tpu.memory_space<vmem_shared>>)
        tpu.yield
      }) : () -> ()
      %scan3A_234 = arith.constant 0 : i32
      scf.yield %scan3A_234 : i32
    }
    %scan3A_74 = arith.constant 156 : i32
    %lt3A = arith.constant 16 : i32
    %lt3A_75 = arith.cmpi slt, %add3A, %lt3A : i32
    %convert_element_type3A_76 = arith.extui %lt3A_75 : i1 to i32
    %cond3A_77 = arith.constant 0 : i32
    %cond3A_78 = arith.cmpi ne, %convert_element_type3A_76, %cond3A_77 : i32
    scf.if %cond3A_78 {
      %mul3A_85 = arith.constant 32 : i32
      %mul3A_86 = arith.muli %add3A, %mul3A_85 : i32
      %add3A_87 = arith.constant 319488 : i32
      %add3A_88 = arith.addi %add3A_87, %mul3A_86 : i32
      %run_scoped3A_89 = arith.constant 0 : i32
      "tpu.region"() ({
        %run_scoped3A_169 = tpu.sem_alloc : memref<!tpu.dma_semaphore, #tpu.memory_space<semaphore_mem>>
        %dma_start3A_170 = arith.constant 0 : i32
        %dma_start3A_171 = arith.constant 0 : i32
        %dma_start3A_172 = tpu.memref_slice %arg10[%run_scoped3A_89, %dma_start3A_170, %dma_start3A_171] : memref<2x2x32xi32, #tpu.memory_space<vmem>> -> memref<1x2x32xi32, #tpu.memory_space<vmem>>
        %dma_start3A_173 = tpu.memref_squeeze %dma_start3A_172 : memref<1x2x32xi32, #tpu.memory_space<vmem>> -> memref<2x32xi32, #tpu.memory_space<vmem>>
        %dma_start3A_174 = arith.constant 0 : i32
        %dma_start3A_175 = tpu.memref_slice %arg2[%dma_start3A_174, %add3A_88] : memref<2x320000xi32, #tpu.memory_space<hbm>> -> memref<2x32xi32, #tpu.memory_space<hbm>>
        %dma_start3A_176 = arith.constant 0 : i32
        %dma_start3A_177 = arith.constant 0 : i32
        %dma_start3A_178 = tpu.memref_slice %arg10[%run_scoped3A_89, %dma_start3A_176, %dma_start3A_177] : memref<2x2x32xi32, #tpu.memory_space<vmem>> -> memref<1x2x32xi32, #tpu.memory_space<vmem>>
        %dma_start3A_179 = tpu.memref_squeeze %dma_start3A_178 : memref<1x2x32xi32, #tpu.memory_space<vmem>> -> memref<2x32xi32, #tpu.memory_space<vmem>>
        %dma_start3A_180 = arith.constant 0 : i32
        %dma_start3A_181 = tpu.memref_slice %arg2[%dma_start3A_180, %add3A_88] : memref<2x320000xi32, #tpu.memory_space<hbm>> -> memref<2x32xi32, #tpu.memory_space<hbm>>
        tpu.enqueue_dma source(%dma_start3A_181 : memref<2x32xi32, #tpu.memory_space<hbm>>) target(%dma_start3A_179 : memref<2x32xi32, #tpu.memory_space<vmem>>) target_semaphore(%run_scoped3A_169 : memref<!tpu.dma_semaphore, #tpu.memory_space<semaphore_mem>>)
        %dma_wait3A_182 = arith.constant 0 : i32
        %dma_wait3A_183 = arith.constant 0 : i32
        %dma_wait3A_184 = tpu.memref_slice %arg10[%run_scoped3A_89, %dma_wait3A_182, %dma_wait3A_183] : memref<2x2x32xi32, #tpu.memory_space<vmem>> -> memref<1x2x32xi32, #tpu.memory_space<vmem>>
        %dma_wait3A_185 = tpu.memref_squeeze %dma_wait3A_184 : memref<1x2x32xi32, #tpu.memory_space<vmem>> -> memref<2x32xi32, #tpu.memory_space<vmem>>
        %dma_wait3A_186 = arith.constant 0 : i32
        %dma_wait3A_187 = tpu.memref_slice %arg2[%dma_wait3A_186, %add3A_88] : memref<2x320000xi32, #tpu.memory_space<hbm>> -> memref<2x32xi32, #tpu.memory_space<hbm>>
        %dma_wait3A_188 = arith.constant 0 : i32
        %dma_wait3A_189 = arith.constant 0 : i32
        %dma_wait3A_190 = tpu.memref_slice %arg10[%run_scoped3A_89, %dma_wait3A_188, %dma_wait3A_189] : memref<2x2x32xi32, #tpu.memory_space<vmem>> -> memref<1x2x32xi32, #tpu.memory_space<vmem>>
        %dma_wait3A_191 = tpu.memref_squeeze %dma_wait3A_190 : memref<1x2x32xi32, #tpu.memory_space<vmem>> -> memref<2x32xi32, #tpu.memory_space<vmem>>
        %dma_wait3A_192 = arith.constant 0 : i32
        %dma_wait3A_193 = tpu.memref_slice %arg2[%dma_wait3A_192, %add3A_88] : memref<2x320000xi32, #tpu.memory_space<hbm>> -> memref<2x32xi32, #tpu.memory_space<hbm>>
        tpu.wait_dma2 semaphore(%run_scoped3A_169 : memref<!tpu.dma_semaphore, #tpu.memory_space<semaphore_mem>>) src(%dma_wait3A_193 : memref<2x32xi32, #tpu.memory_space<hbm>>) dst(%dma_wait3A_191 : memref<2x32xi32, #tpu.memory_space<vmem>>)
        tpu.yield
      }) : () -> ()
      %dma_start3A_90 = arith.constant 0 : i32
      %dma_start3A_91 = arith.constant 0 : i32
      %dma_start3A_92 = arith.constant 0 : i32
      %dma_start3A_93 = arith.constant 0 : i32
      %dma_start3A_94 = arith.constant 0 : i32
      %dma_start3A_95 = tpu.memref_slice %arg11[%dma_start3A_92, %dma_start3A_93, %dma_start3A_94] : memref<2x32x256xf32, #tpu.memory_space<vmem>> -> memref<1x32x256xf32, #tpu.memory_space<vmem>>
      %dma_start3A_96 = tpu.memref_squeeze %dma_start3A_95 : memref<1x32x256xf32, #tpu.memory_space<vmem>> -> memref<32x256xf32, #tpu.memory_space<vmem>>
      %dma_start3A_97 = arith.constant 0 : i32
      %dma_start3A_98 = tpu.memref_slice %arg10[%dma_start3A_90, %dma_start3A_91, %dma_start3A_97] : memref<2x2x32xi32, #tpu.memory_space<vmem>> -> memref<1x1x32xi32, #tpu.memory_space<vmem>>
      %dma_start3A_99 = tpu.memref_squeeze %dma_start3A_98 : memref<1x1x32xi32, #tpu.memory_space<vmem>> -> memref<32xi32, #tpu.memory_space<vmem>>
      %dma_start3A_100 = arith.constant 0 : i32
      %dma_start3A_101 = arith.constant 0 : i32
      %dma_start3A_102 = tpu.memref_slice %arg3[%dma_start3A_100, %dma_start3A_101] : memref<10000x256xf32, #tpu.memory_space<hbm>> -> memref<10000x256xf32, #tpu.memory_space<hbm>>
      tpu.enqueue_indirect_dma source(%dma_start3A_102 : memref<10000x256xf32, #tpu.memory_space<hbm>>) target(%dma_start3A_96 : memref<32x256xf32, #tpu.memory_space<vmem>>) offsets(%dma_start3A_99 : memref<32xi32, #tpu.memory_space<vmem>>) semaphore(%arg18 : memref<!tpu.dma_semaphore, #tpu.memory_space<semaphore_mem>>)
      %dma_start3A_103 = arith.constant 0 : i32
      %dma_start3A_104 = arith.constant 1 : i32
      %dma_start3A_105 = arith.constant 0 : i32
      %dma_start3A_106 = arith.constant 0 : i32
      %dma_start3A_107 = arith.constant 0 : i32
      %dma_start3A_108 = tpu.memref_slice %arg12[%dma_start3A_105, %dma_start3A_106, %dma_start3A_107] : memref<2x32x256xf32, #tpu.memory_space<vmem>> -> memref<1x32x256xf32, #tpu.memory_space<vmem>>
      %dma_start3A_109 = tpu.memref_squeeze %dma_start3A_108 : memref<1x32x256xf32, #tpu.memory_space<vmem>> -> memref<32x256xf32, #tpu.memory_space<vmem>>
      %dma_start3A_110 = arith.constant 0 : i32
      %dma_start3A_111 = tpu.memref_slice %arg10[%dma_start3A_103, %dma_start3A_104, %dma_start3A_110] : memref<2x2x32xi32, #tpu.memory_space<vmem>> -> memref<1x1x32xi32, #tpu.memory_space<vmem>>
      %dma_start3A_112 = tpu.memref_squeeze %dma_start3A_111 : memref<1x1x32xi32, #tpu.memory_space<vmem>> -> memref<32xi32, #tpu.memory_space<vmem>>
      %dma_start3A_113 = arith.constant 0 : i32
      %dma_start3A_114 = arith.constant 0 : i32
      %dma_start3A_115 = tpu.memref_slice %arg4[%dma_start3A_113, %dma_start3A_114] : memref<10000x256xf32, #tpu.memory_space<hbm>> -> memref<10000x256xf32, #tpu.memory_space<hbm>>
      tpu.enqueue_indirect_dma source(%dma_start3A_115 : memref<10000x256xf32, #tpu.memory_space<hbm>>) target(%dma_start3A_109 : memref<32x256xf32, #tpu.memory_space<vmem>>) offsets(%dma_start3A_112 : memref<32xi32, #tpu.memory_space<vmem>>) semaphore(%arg18 : memref<!tpu.dma_semaphore, #tpu.memory_space<semaphore_mem>>)
      %dma_start3A_116 = arith.constant 0 : i32
      %dma_start3A_117 = arith.constant 0 : i32
      %dma_start3A_118 = arith.constant 0 : i32
      %dma_start3A_119 = tpu.memref_slice %arg13[%dma_start3A_116, %dma_start3A_117, %dma_start3A_118] : memref<2x32x128xf32, #tpu.memory_space<vmem>> -> memref<1x32x128xf32, #tpu.memory_space<vmem>>
      %dma_start3A_120 = tpu.memref_squeeze %dma_start3A_119 : memref<1x32x128xf32, #tpu.memory_space<vmem>> -> memref<32x128xf32, #tpu.memory_space<vmem>>
      %dma_start3A_121 = arith.constant 0 : i32
      %dma_start3A_122 = tpu.memref_slice %arg5[%add3A_88, %dma_start3A_121] : memref<320000x128xf32, #tpu.memory_space<hbm>> -> memref<32x128xf32, #tpu.memory_space<hbm>>
      %dma_start3A_123 = arith.constant 0 : i32
      %dma_start3A_124 = arith.constant 0 : i32
      %dma_start3A_125 = tpu.memref_slice %arg13[%dma_start3A_116, %dma_start3A_123, %dma_start3A_124] : memref<2x32x128xf32, #tpu.memory_space<vmem>> -> memref<1x32x128xf32, #tpu.memory_space<vmem>>
      %dma_start3A_126 = tpu.memref_squeeze %dma_start3A_125 : memref<1x32x128xf32, #tpu.memory_space<vmem>> -> memref<32x128xf32, #tpu.memory_space<vmem>>
      %dma_start3A_127 = arith.constant 0 : i32
      %dma_start3A_128 = tpu.memref_slice %arg5[%add3A_88, %dma_start3A_127] : memref<320000x128xf32, #tpu.memory_space<hbm>> -> memref<32x128xf32, #tpu.memory_space<hbm>>
      tpu.enqueue_dma source(%dma_start3A_128 : memref<32x128xf32, #tpu.memory_space<hbm>>) target(%dma_start3A_126 : memref<32x128xf32, #tpu.memory_space<vmem>>) target_semaphore(%arg18 : memref<!tpu.dma_semaphore, #tpu.memory_space<semaphore_mem>>)
      %dma_wait3A = arith.constant 0 : i32
      %dma_wait3A_129 = arith.constant 0 : i32
      %dma_wait3A_130 = arith.constant 0 : i32
      %dma_wait3A_131 = arith.constant 0 : i32
      %dma_wait3A_132 = arith.constant 0 : i32
      %dma_wait3A_133 = tpu.memref_slice %arg11[%dma_wait3A_130, %dma_wait3A_131, %dma_wait3A_132] : memref<2x32x256xf32, #tpu.memory_space<vmem>> -> memref<1x32x256xf32, #tpu.memory_space<vmem>>
      %dma_wait3A_134 = tpu.memref_squeeze %dma_wait3A_133 : memref<1x32x256xf32, #tpu.memory_space<vmem>> -> memref<32x256xf32, #tpu.memory_space<vmem>>
      %dma_wait3A_135 = arith.constant 0 : i32
      %dma_wait3A_136 = tpu.memref_slice %arg10[%dma_wait3A, %dma_wait3A_129, %dma_wait3A_135] : memref<2x2x32xi32, #tpu.memory_space<vmem>> -> memref<1x1x32xi32, #tpu.memory_space<vmem>>
      %dma_wait3A_137 = tpu.memref_squeeze %dma_wait3A_136 : memref<1x1x32xi32, #tpu.memory_space<vmem>> -> memref<32xi32, #tpu.memory_space<vmem>>
      %dma_wait3A_138 = arith.constant 0 : i32
      %dma_wait3A_139 = arith.constant 0 : i32
      %dma_wait3A_140 = tpu.memref_slice %arg3[%dma_wait3A_138, %dma_wait3A_139] : memref<10000x256xf32, #tpu.memory_space<hbm>> -> memref<10000x256xf32, #tpu.memory_space<hbm>>
      tpu.wait_indirect_dma semaphore(%arg18 : memref<!tpu.dma_semaphore, #tpu.memory_space<semaphore_mem>>) src(%dma_wait3A_140 : memref<10000x256xf32, #tpu.memory_space<hbm>>) dst(%dma_wait3A_134 : memref<32x256xf32, #tpu.memory_space<vmem>>)
      %dma_wait3A_141 = arith.constant 0 : i32
      %dma_wait3A_142 = arith.constant 1 : i32
      %dma_wait3A_143 = arith.constant 0 : i32
      %dma_wait3A_144 = arith.constant 0 : i32
      %dma_wait3A_145 = arith.constant 0 : i32
      %dma_wait3A_146 = tpu.memref_slice %arg12[%dma_wait3A_143, %dma_wait3A_144, %dma_wait3A_145] : memref<2x32x256xf32, #tpu.memory_space<vmem>> -> memref<1x32x256xf32, #tpu.memory_space<vmem>>
      %dma_wait3A_147 = tpu.memref_squeeze %dma_wait3A_146 : memref<1x32x256xf32, #tpu.memory_space<vmem>> -> memref<32x256xf32, #tpu.memory_space<vmem>>
      %dma_wait3A_148 = arith.constant 0 : i32
      %dma_wait3A_149 = tpu.memref_slice %arg10[%dma_wait3A_141, %dma_wait3A_142, %dma_wait3A_148] : memref<2x2x32xi32, #tpu.memory_space<vmem>> -> memref<1x1x32xi32, #tpu.memory_space<vmem>>
      %dma_wait3A_150 = tpu.memref_squeeze %dma_wait3A_149 : memref<1x1x32xi32, #tpu.memory_space<vmem>> -> memref<32xi32, #tpu.memory_space<vmem>>
      %dma_wait3A_151 = arith.constant 0 : i32
      %dma_wait3A_152 = arith.constant 0 : i32
      %dma_wait3A_153 = tpu.memref_slice %arg4[%dma_wait3A_151, %dma_wait3A_152] : memref<10000x256xf32, #tpu.memory_space<hbm>> -> memref<10000x256xf32, #tpu.memory_space<hbm>>
      tpu.wait_indirect_dma semaphore(%arg18 : memref<!tpu.dma_semaphore, #tpu.memory_space<semaphore_mem>>) src(%dma_wait3A_153 : memref<10000x256xf32, #tpu.memory_space<hbm>>) dst(%dma_wait3A_147 : memref<32x256xf32, #tpu.memory_space<vmem>>)
      %dma_wait3A_154 = arith.constant 0 : i32
      %dma_wait3A_155 = arith.constant 0 : i32
      %dma_wait3A_156 = arith.constant 0 : i32
      %dma_wait3A_157 = tpu.memref_slice %arg13[%dma_wait3A_154, %dma_wait3A_155, %dma_wait3A_156] : memref<2x32x128xf32, #tpu.memory_space<vmem>> -> memref<1x32x128xf32, #tpu.memory_space<vmem>>
      %dma_wait3A_158 = tpu.memref_squeeze %dma_wait3A_157 : memref<1x32x128xf32, #tpu.memory_space<vmem>> -> memref<32x128xf32, #tpu.memory_space<vmem>>
      %dma_wait3A_159 = arith.constant 0 : i32
      %dma_wait3A_160 = tpu.memref_slice %arg5[%add3A_88, %dma_wait3A_159] : memref<320000x128xf32, #tpu.memory_space<hbm>> -> memref<32x128xf32, #tpu.memory_space<hbm>>
      %dma_wait3A_161 = arith.constant 0 : i32
      %dma_wait3A_162 = arith.constant 0 : i32
      %dma_wait3A_163 = tpu.memref_slice %arg13[%dma_wait3A_154, %dma_wait3A_161, %dma_wait3A_162] : memref<2x32x128xf32, #tpu.memory_space<vmem>> -> memref<1x32x128xf32, #tpu.memory_space<vmem>>
      %dma_wait3A_164 = tpu.memref_squeeze %dma_wait3A_163 : memref<1x32x128xf32, #tpu.memory_space<vmem>> -> memref<32x128xf32, #tpu.memory_space<vmem>>
      %dma_wait3A_165 = arith.constant 0 : i32
      %dma_wait3A_166 = tpu.memref_slice %arg5[%add3A_88, %dma_wait3A_165] : memref<320000x128xf32, #tpu.memory_space<hbm>> -> memref<32x128xf32, #tpu.memory_space<hbm>>
      tpu.wait_dma2 semaphore(%arg18 : memref<!tpu.dma_semaphore, #tpu.memory_space<semaphore_mem>>) src(%dma_wait3A_166 : memref<32x128xf32, #tpu.memory_space<hbm>>) dst(%dma_wait3A_164 : memref<32x128xf32, #tpu.memory_space<vmem>>)
      %run_scoped3A_167 = arith.constant 0 : i32
      %run_scoped3A_168 = arith.constant 0 : i32
      "tpu.region"() ({
        %run_scoped3A_169 = tpu.sem_alloc : memref<!tpu.dma_semaphore, #tpu.memory_space<semaphore_mem>>
        %dma_start3A_170 = arith.constant 0 : i32
        %dma_start3A_171 = tpu.memref_slice %arg10[%run_scoped3A_167, %run_scoped3A_168, %dma_start3A_170] : memref<2x2x32xi32, #tpu.memory_space<vmem>> -> memref<1x1x32xi32, #tpu.memory_space<vmem>>
        %dma_start3A_172 = tpu.memref_squeeze %dma_start3A_171 : memref<1x1x32xi32, #tpu.memory_space<vmem>> -> memref<32xi32, #tpu.memory_space<vmem>>
        %dma_start3A_173 = arith.constant 0 : i32
        %dma_start3A_174 = arith.constant 0 : i32
        %dma_start3A_175 = tpu.memref_slice %arg17[%dma_start3A_173, %dma_start3A_174] : memref<10000x128xf32, #tpu.memory_space<vmem_shared>> -> memref<10000x128xf32, #tpu.memory_space<vmem_shared>>
        tpu.enqueue_indirect_dma source(%arg14 : memref<32x128xf32, #tpu.memory_space<vmem>>) target(%dma_start3A_175 : memref<10000x128xf32, #tpu.memory_space<vmem_shared>>) offsets(%dma_start3A_172 : memref<32xi32, #tpu.memory_space<vmem>>) semaphore(%run_scoped3A_169 : memref<!tpu.dma_semaphore, #tpu.memory_space<semaphore_mem>>) {add = true}
        %dma_wait3A_176 = arith.constant 0 : i32
        %dma_wait3A_177 = tpu.memref_slice %arg10[%run_scoped3A_167, %run_scoped3A_168, %dma_wait3A_176] : memref<2x2x32xi32, #tpu.memory_space<vmem>> -> memref<1x1x32xi32, #tpu.memory_space<vmem>>
        %dma_wait3A_178 = tpu.memref_squeeze %dma_wait3A_177 : memref<1x1x32xi32, #tpu.memory_space<vmem>> -> memref<32xi32, #tpu.memory_space<vmem>>
        %dma_wait3A_179 = arith.constant 0 : i32
        %dma_wait3A_180 = arith.constant 0 : i32
        %dma_wait3A_181 = tpu.memref_slice %arg17[%dma_wait3A_179, %dma_wait3A_180] : memref<10000x128xf32, #tpu.memory_space<vmem_shared>> -> memref<10000x128xf32, #tpu.memory_space<vmem_shared>>
        tpu.wait_indirect_dma semaphore(%run_scoped3A_169 : memref<!tpu.dma_semaphore, #tpu.memory_space<semaphore_mem>>) src(%arg14 : memref<32x128xf32, #tpu.memory_space<vmem>>) dst(%dma_wait3A_181 : memref<10000x128xf32, #tpu.memory_space<vmem_shared>>)
        tpu.yield
      }) : () -> ()
    } else {
    }
    %barrier3A_79 = arith.constant 0 : index
    tpu.barrier barrier_id(%barrier3A_79)
    "tpu.region"() ({
      %run_scoped3A_85 = tpu.sem_alloc : memref<!tpu.dma_semaphore, #tpu.memory_space<semaphore_mem>>
      %dma_start3A_86 = arith.constant 0 : i32
      %dma_start3A_87 = tpu.memref_slice %arg9[%arg0, %mul3A_2, %dma_start3A_86] : memref<2x10000x128xf32, #tpu.memory_space<hbm>> -> memref<1x624x128xf32, #tpu.memory_space<hbm>>
      %dma_start3A_88 = tpu.memref_squeeze %dma_start3A_87 : memref<1x624x128xf32, #tpu.memory_space<hbm>> -> memref<624x128xf32, #tpu.memory_space<hbm>>
      %dma_start3A_89 = arith.constant 0 : i32
      %dma_start3A_90 = tpu.memref_slice %arg17[%mul3A_2, %dma_start3A_89] : memref<10000x128xf32, #tpu.memory_space<vmem_shared>> -> memref<624x128xf32, #tpu.memory_space<vmem_shared>>
      tpu.enqueue_dma source(%dma_start3A_90 : memref<624x128xf32, #tpu.memory_space<vmem_shared>>) target(%dma_start3A_88 : memref<624x128xf32, #tpu.memory_space<hbm>>) target_semaphore(%run_scoped3A_85 : memref<!tpu.dma_semaphore, #tpu.memory_space<semaphore_mem>>)
      %dma_wait3A = arith.constant 0 : i32
      %dma_wait3A_91 = tpu.memref_slice %arg9[%arg0, %mul3A_2, %dma_wait3A] : memref<2x10000x128xf32, #tpu.memory_space<hbm>> -> memref<1x624x128xf32, #tpu.memory_space<hbm>>
      %dma_wait3A_92 = tpu.memref_squeeze %dma_wait3A_91 : memref<1x624x128xf32, #tpu.memory_space<hbm>> -> memref<624x128xf32, #tpu.memory_space<hbm>>
      %dma_wait3A_93 = arith.constant 0 : i32
      %dma_wait3A_94 = tpu.memref_slice %arg17[%mul3A_2, %dma_wait3A_93] : memref<10000x128xf32, #tpu.memory_space<vmem_shared>> -> memref<624x128xf32, #tpu.memory_space<vmem_shared>>
      tpu.wait_dma2 semaphore(%run_scoped3A_85 : memref<!tpu.dma_semaphore, #tpu.memory_space<semaphore_mem>>) src(%dma_wait3A_94 : memref<624x128xf32, #tpu.memory_space<vmem_shared>>) dst(%dma_wait3A_92 : memref<624x128xf32, #tpu.memory_space<hbm>>)
      tpu.yield
    }) : () -> ()
    %eq3A_80 = arith.constant 0 : i32
    %eq3A_81 = arith.cmpi eq, %arg1, %eq3A_80 : i32
    %convert_element_type3A_82 = arith.extui %eq3A_81 : i1 to i32
    %cond3A_83 = arith.constant 0 : i32
    %cond3A_84 = arith.cmpi ne, %convert_element_type3A_82, %cond3A_83 : i32
    scf.if %cond3A_84 {
      "tpu.region"() ({
        %run_scoped3A_85 = tpu.sem_alloc : memref<!tpu.dma_semaphore, #tpu.memory_space<semaphore_mem>>
        %dma_start3A_86 = arith.constant 9984 : i32
        %dma_start3A_87 = arith.constant 0 : i32
        %dma_start3A_88 = tpu.memref_slice %arg9[%arg0, %dma_start3A_86, %dma_start3A_87] : memref<2x10000x128xf32, #tpu.memory_space<hbm>> -> memref<1x16x128xf32, #tpu.memory_space<hbm>>
        %dma_start3A_89 = tpu.memref_squeeze %dma_start3A_88 : memref<1x16x128xf32, #tpu.memory_space<hbm>> -> memref<16x128xf32, #tpu.memory_space<hbm>>
        %dma_start3A_90 = arith.constant 9984 : i32
        %dma_start3A_91 = arith.constant 0 : i32
        %dma_start3A_92 = tpu.memref_slice %arg17[%dma_start3A_90, %dma_start3A_91] : memref<10000x128xf32, #tpu.memory_space<vmem_shared>> -> memref<16x128xf32, #tpu.memory_space<vmem_shared>>
        tpu.enqueue_dma source(%dma_start3A_92 : memref<16x128xf32, #tpu.memory_space<vmem_shared>>) target(%dma_start3A_89 : memref<16x128xf32, #tpu.memory_space<hbm>>) target_semaphore(%run_scoped3A_85 : memref<!tpu.dma_semaphore, #tpu.memory_space<semaphore_mem>>)
        %dma_wait3A = arith.constant 9984 : i32
        %dma_wait3A_93 = arith.constant 0 : i32
        %dma_wait3A_94 = tpu.memref_slice %arg9[%arg0, %dma_wait3A, %dma_wait3A_93] : memref<2x10000x128xf32, #tpu.memory_space<hbm>> -> memref<1x16x128xf32, #tpu.memory_space<hbm>>
        %dma_wait3A_95 = tpu.memref_squeeze %dma_wait3A_94 : memref<1x16x128xf32, #tpu.memory_space<hbm>> -> memref<16x128xf32, #tpu.memory_space<hbm>>
        %dma_wait3A_96 = arith.constant 9984 : i32
        %dma_wait3A_97 = arith.constant 0 : i32
        %dma_wait3A_98 = tpu.memref_slice %arg17[%dma_wait3A_96, %dma_wait3A_97] : memref<10000x128xf32, #tpu.memory_space<vmem_shared>> -> memref<16x128xf32, #tpu.memory_space<vmem_shared>>
        tpu.wait_dma2 semaphore(%run_scoped3A_85 : memref<!tpu.dma_semaphore, #tpu.memory_space<semaphore_mem>>) src(%dma_wait3A_98 : memref<16x128xf32, #tpu.memory_space<vmem_shared>>) dst(%dma_wait3A_95 : memref<16x128xf32, #tpu.memory_space<hbm>>)
        tpu.yield
      }) : () -> ()
    } else {
    }
    return
  }
}

module attributes {stable_mosaic.version = 14 : i64} {
  func.func @_ee_body(%arg0: i32, %arg1: memref<4x16000xf32, #tpu.memory_space<vmem>>, %arg2: memref<4x128xf32, #tpu.memory_space<vmem>>, %arg3: memref<16000x128xf32, #tpu.memory_space<vmem>>) attributes {dimension_semantics = [#tpu.dimension_semantics<arbitrary>], iteration_bounds = array<i64: 20>, scalar_prefetch = 0 : i64, scratch_operands = 0 : i64, tpu.core_type = #tpu.core_type<tc>, window_params = [{transform_indices = @transform_0, window_bounds = array<i64: 4, 16000>}, {pipeline_mode = #tpu.pipeline_mode<synchronous>, transform_indices = @transform_1, window_bounds = array<i64: 4, 128>}, {transform_indices = @transform_2, window_bounds = array<i64: 16000, 128>}]} {
    %get3A = arith.constant 0 : index
    %get3A_0 = arith.constant 0 : index
    %get3A_1 = vector.load %arg1[%get3A, %get3A_0] : memref<4x16000xf32, #tpu.memory_space<vmem>>, vector<4x16000xf32>
    %get3A_2 = arith.constant 0 : index
    %get3A_3 = arith.constant 0 : index
    %get3A_4 = vector.load %arg2[%get3A_2, %get3A_3] : memref<4x128xf32, #tpu.memory_space<vmem>>, vector<4x128xf32>
    %dot_general3A = arith.constant dense<0.000000e+00> : vector<16000x128xf32>
    %dot_general3A_5 = tpu.matmul %get3A_1, %get3A_4, %dot_general3A {dimension_numbers = #tpu.dot_dimension_numbers<[0], [0], [1], [1], [0, 1, 1, 1], [], []>, transpose_lhs_hint = false} : vector<4x16000xf32>, vector<4x128xf32>, vector<16000x128xf32> -> vector<16000x128xf32>
    %swap3A = arith.constant 0 : index
    %swap3A_6 = arith.constant 0 : index
    %swap3A_7 = vector.load %arg3[%swap3A, %swap3A_6] : memref<16000x128xf32, #tpu.memory_space<vmem>>, vector<16000x128xf32>
    tpu.vector_store %arg3[%swap3A, %swap3A_6], %dot_general3A_5 {strides = array<i32>} : memref<16000x128xf32, #tpu.memory_space<vmem>>, vector<16000x128xf32>,
    return
  }
  func.func @transform_0(%arg0: i32) -> (i32, i32) {
    %c0_i32 = arith.constant 0 : i32
    %c0_i32_0 = arith.constant 0 : i32
    return %c0_i32, %arg0 : i32, i32
  }
  func.func @transform_1(%arg0: i32) -> (i32, i32) {
    %c0_i32 = arith.constant 0 : i32
    %c0_i32_0 = arith.constant 0 : i32
    %c0_i32_1 = arith.constant 0 : i32
    return %c0_i32, %c0_i32_0 : i32, i32
  }
  func.func @transform_2(%arg0: i32) -> (i32, i32) {
    %c0_i32 = arith.constant 0 : i32
    %c0_i32_0 = arith.constant 0 : i32
    return %arg0, %c0_i32 : i32, i32
  }
}

module attributes {stable_mosaic.version = 14 : i64} {
  func.func @_node_body(%arg0: i32, %arg1: memref<1000x128xf32, #tpu.memory_space<vmem>>, %arg2: memref<1x128xf32, #tpu.memory_space<vmem>>, %arg3: memref<1x128xf32, #tpu.memory_space<vmem>>, %arg4: memref<128x128xf32, #tpu.memory_space<vmem>>, %arg5: memref<1x128xf32, #tpu.memory_space<vmem>>, %arg6: memref<128x128xf32, #tpu.memory_space<vmem>>, %arg7: memref<128x128xf32, #tpu.memory_space<vmem>>, %arg8: memref<1x128xf32, #tpu.memory_space<vmem>>, %arg9: memref<1000x256xf32, #tpu.memory_space<vmem>>, %arg10: memref<1000x256xf32, #tpu.memory_space<vmem>>, %arg11: memref<1000x128xf32, #tpu.memory_space<vmem>>) attributes {dimension_semantics = [#tpu.dimension_semantics<arbitrary>], iteration_bounds = array<i64: 10>, scalar_prefetch = 0 : i64, scratch_operands = 0 : i64, tpu.core_type = #tpu.core_type<tc>, window_params = [{transform_indices = @transform_0, window_bounds = array<i64: 1000, 128>}, {pipeline_mode = #tpu.pipeline_mode<synchronous>, transform_indices = @transform_1, window_bounds = array<i64: 1, 128>}, {pipeline_mode = #tpu.pipeline_mode<synchronous>, transform_indices = @transform_2, window_bounds = array<i64: 1, 128>}, {pipeline_mode = #tpu.pipeline_mode<synchronous>, transform_indices = @transform_3, window_bounds = array<i64: 128, 128>}, {pipeline_mode = #tpu.pipeline_mode<synchronous>, transform_indices = @transform_4, window_bounds = array<i64: 1, 128>}, {pipeline_mode = #tpu.pipeline_mode<synchronous>, transform_indices = @transform_5, window_bounds = array<i64: 128, 128>}, {pipeline_mode = #tpu.pipeline_mode<synchronous>, transform_indices = @transform_6, window_bounds = array<i64: 128, 128>}, {pipeline_mode = #tpu.pipeline_mode<synchronous>, transform_indices = @transform_7, window_bounds = array<i64: 1, 128>}, {transform_indices = @transform_8, window_bounds = array<i64: 1000, 256>}, {transform_indices = @transform_9, window_bounds = array<i64: 1000, 256>}, {transform_indices = @transform_10, window_bounds = array<i64: 1000, 128>}]} {
    %get3A = arith.constant 0 : index
    %get3A_0 = arith.constant 0 : index
    %get3A_1 = vector.load %arg1[%get3A, %get3A_0] : memref<1000x128xf32, #tpu.memory_space<vmem>>, vector<1000x128xf32>
    %iota3A = tpu.iota {dimensions = array<i32: 1>} : vector<1000x128xi32>
    %gt3A = arith.constant 0 : i32
    %gt3A_2 = vector.broadcast %gt3A : i32 to vector<1000x128xi32>
    %gt3A_3 = arith.cmpi sgt, %iota3A, %gt3A_2 : vector<1000x128xi32>
    %jit3A = arith.constant 0.000000e+00 : f32
    %broadcast_in_dim3A = vector.broadcast %jit3A : f32 to vector<1000x128xf32>
    %select_n3A = arith.select %gt3A_3, %get3A_1, %broadcast_in_dim3A : vector<1000x128xi1>, vector<1000x128xf32>
    %mul3A = arith.mulf %select_n3A, %select_n3A : vector<1000x128xf32>
    %reduce_sum3A = arith.constant dense<0.000000e+00> : vector<1000xf32>
    %reduce_sum3A_4 = vector.multi_reduction <add>, %mul3A, %reduce_sum3A [1] : vector<1000x128xf32> to vector<1000xf32>
    %broadcast_in_dim3A_5 = vector.shape_cast %reduce_sum3A_4 : vector<1000xf32> to vector<1000x1xf32>
    %sqrt3A = math.sqrt %broadcast_in_dim3A_5 : vector<1000x1xf32>
    %max3A = arith.constant 1.000000e-15 : f32
    %max3A_6 = vector.broadcast %max3A : f32 to vector<1000x1xf32>
    %max3A_7 = arith.maximumf %sqrt3A, %max3A_6 : vector<1000x1xf32>
    %slice3A = vector.extract_strided_slice %get3A_1 {offsets = [0, 0], sizes = [1000, 1], strides = [1, 1]} : vector<1000x128xf32> to vector<1000x1xf32>
    %max3A_8 = arith.constant 1.00000012 : f32
    %max3A_9 = vector.broadcast %max3A_8 : f32 to vector<1000x1xf32>
    %max3A_10 = arith.maximumf %slice3A, %max3A_9 : vector<1000x1xf32>
    %mul3A_11 = arith.mulf %max3A_10, %max3A_10 : vector<1000x1xf32>
    %sub3A = arith.constant 1.000000e+00 : f32
    %sub3A_12 = vector.broadcast %sub3A : f32 to vector<1000x1xf32>
    %sub3A_13 = arith.subf %mul3A_11, %sub3A_12 : vector<1000x1xf32>
    %jit3A_14 = arith.constant 1.000000e-15 : f32
    %max3A_15 = vector.broadcast %jit3A_14 : f32 to vector<1000x1xf32>
    %max3A_16 = arith.maximumf %max3A_15, %sub3A_13 : vector<1000x1xf32>
    %sqrt3A_17 = math.sqrt %max3A_16 : vector<1000x1xf32>
    %add3A = arith.addf %max3A_10, %sqrt3A_17 : vector<1000x1xf32>
    %log3A = math.log %add3A : vector<1000x1xf32>
    %mul3A_18 = vector.broadcast %log3A : vector<1000x1xf32> to vector<1000x128xf32>
    %mul3A_19 = arith.mulf %mul3A_18, %select_n3A : vector<1000x128xf32>
    %div3A = vector.broadcast %max3A_7 : vector<1000x1xf32> to vector<1000x128xf32>
    %div3A_20 = arith.divf %mul3A_19, %div3A : vector<1000x128xf32>
    %reduce_sum3A_21 = arith.constant dense<0.000000e+00> : vector<1000xf32>
    %reduce_sum3A_22 = vector.multi_reduction <add>, %div3A_20, %reduce_sum3A_21 [1] : vector<1000x128xf32> to vector<1000xf32>
    %broadcast_in_dim3A_23 = vector.shape_cast %reduce_sum3A_22 : vector<1000xf32> to vector<1000x1xf32>
    %div3A_24 = arith.constant 1.270000e+02 : f32
    %div3A_25 = vector.broadcast %div3A_24 : f32 to vector<1000x1xf32>
    %div3A_26 = arith.divf %broadcast_in_dim3A_23, %div3A_25 : vector<1000x1xf32>
    %sub3A_27 = vector.broadcast %div3A_26 : vector<1000x1xf32> to vector<1000x128xf32>
    %sub3A_28 = arith.subf %div3A_20, %sub3A_27 : vector<1000x128xf32>
    %mul3A_29 = arith.mulf %sub3A_28, %sub3A_28 : vector<1000x128xf32>
    %jit3A_30 = arith.constant 0.000000e+00 : f32
    %broadcast_in_dim3A_31 = vector.broadcast %jit3A_30 : f32 to vector<1000x128xf32>
    %select_n3A_32 = arith.select %gt3A_3, %mul3A_29, %broadcast_in_dim3A_31 : vector<1000x128xi1>, vector<1000x128xf32>
    %reduce_sum3A_33 = arith.constant dense<0.000000e+00> : vector<1000xf32>
    %reduce_sum3A_34 = vector.multi_reduction <add>, %select_n3A_32, %reduce_sum3A_33 [1] : vector<1000x128xf32> to vector<1000xf32>
    %broadcast_in_dim3A_35 = vector.shape_cast %reduce_sum3A_34 : vector<1000xf32> to vector<1000x1xf32>
    %div3A_36 = arith.constant 1.270000e+02 : f32
    %div3A_37 = vector.broadcast %div3A_36 : f32 to vector<1000x1xf32>
    %div3A_38 = arith.divf %broadcast_in_dim3A_35, %div3A_37 : vector<1000x1xf32>
    %add3A_39 = arith.constant 9.99999974E-6 : f32
    %add3A_40 = vector.broadcast %add3A_39 : f32 to vector<1000x1xf32>
    %add3A_41 = arith.addf %div3A_38, %add3A_40 : vector<1000x1xf32>
    %sqrt3A_42 = math.sqrt %add3A_41 : vector<1000x1xf32>
    %div3A_43 = vector.broadcast %sqrt3A_42 : vector<1000x1xf32> to vector<1000x128xf32>
    %div3A_44 = arith.divf %sub3A_28, %div3A_43 : vector<1000x128xf32>
    %get3A_45 = arith.constant 0 : index
    %get3A_46 = arith.constant 0 : index
    %get3A_47 = vector.load %arg2[%get3A_45, %get3A_46] : memref<1x128xf32, #tpu.memory_space<vmem>>, vector<1x128xf32>
    %mul3A_48 = vector.broadcast %get3A_47 : vector<1x128xf32> to vector<1000x128xf32>
    %mul3A_49 = arith.mulf %div3A_44, %mul3A_48 : vector<1000x128xf32>
    %get3A_50 = arith.constant 0 : index
    %get3A_51 = arith.constant 0 : index
    %get3A_52 = vector.load %arg3[%get3A_50, %get3A_51] : memref<1x128xf32, #tpu.memory_space<vmem>>, vector<1x128xf32>
    %add3A_53 = vector.broadcast %get3A_52 : vector<1x128xf32> to vector<1000x128xf32>
    %add3A_54 = arith.addf %mul3A_49, %add3A_53 : vector<1000x128xf32>
    %jit3A_55 = arith.constant 0.000000e+00 : f32
    %broadcast_in_dim3A_56 = vector.broadcast %jit3A_55 : f32 to vector<1000x128xf32>
    %select_n3A_57 = arith.select %gt3A_3, %add3A_54, %broadcast_in_dim3A_56 : vector<1000x128xi1>, vector<1000x128xf32>
    %jit3A_58 = arith.constant 0.000000e+00 : f32
    %broadcast_in_dim3A_59 = vector.broadcast %jit3A_58 : f32 to vector<1000x128xf32>
    %select_n3A_60 = arith.select %gt3A_3, %select_n3A_57, %broadcast_in_dim3A_59 : vector<1000x128xi1>, vector<1000x128xf32>
    %mul3A_61 = arith.mulf %select_n3A_60, %select_n3A_60 : vector<1000x128xf32>
    %reduce_sum3A_62 = arith.constant dense<0.000000e+00> : vector<1000xf32>
    %reduce_sum3A_63 = vector.multi_reduction <add>, %mul3A_61, %reduce_sum3A_62 [1] : vector<1000x128xf32> to vector<1000xf32>
    %broadcast_in_dim3A_64 = vector.shape_cast %reduce_sum3A_63 : vector<1000xf32> to vector<1000x1xf32>
    %sqrt3A_65 = math.sqrt %broadcast_in_dim3A_64 : vector<1000x1xf32>
    %max3A_66 = arith.constant 1.000000e-15 : f32
    %max3A_67 = vector.broadcast %max3A_66 : f32 to vector<1000x1xf32>
    %max3A_68 = arith.maximumf %sqrt3A_65, %max3A_67 : vector<1000x1xf32>
    %exp3A = math.exp %max3A_68 : vector<1000x1xf32>
    %neg3A = arith.constant 0.000000e+00 : f32
    %neg3A_69 = vector.broadcast %neg3A : f32 to vector<1000x1xf32>
    %neg3A_70 = arith.subf %neg3A_69, %max3A_68 : vector<1000x1xf32>
    %exp3A_71 = math.exp %neg3A_70 : vector<1000x1xf32>
    %sub3A_72 = arith.subf %exp3A, %exp3A_71 : vector<1000x1xf32>
    %mul3A_73 = arith.constant 5.000000e-01 : f32
    %mul3A_74 = vector.broadcast %mul3A_73 : f32 to vector<1000x1xf32>
    %mul3A_75 = arith.mulf %mul3A_74, %sub3A_72 : vector<1000x1xf32>
    %mul3A_76 = vector.broadcast %mul3A_75 : vector<1000x1xf32> to vector<1000x128xf32>
    %mul3A_77 = arith.mulf %mul3A_76, %select_n3A_60 : vector<1000x128xf32>
    %div3A_78 = vector.broadcast %max3A_68 : vector<1000x1xf32> to vector<1000x128xf32>
    %div3A_79 = arith.divf %mul3A_77, %div3A_78 : vector<1000x128xf32>
    %mul3A_80 = arith.mulf %div3A_79, %div3A_79 : vector<1000x128xf32>
    %reduce_sum3A_81 = arith.constant dense<0.000000e+00> : vector<1000xf32>
    %reduce_sum3A_82 = vector.multi_reduction <add>, %mul3A_80, %reduce_sum3A_81 [1] : vector<1000x128xf32> to vector<1000xf32>
    %broadcast_in_dim3A_83 = vector.shape_cast %reduce_sum3A_82 : vector<1000xf32> to vector<1000x1xf32>
    %add3A_84 = arith.constant 1.000000e+00 : f32
    %add3A_85 = vector.broadcast %add3A_84 : f32 to vector<1000x1xf32>
    %add3A_86 = arith.addf %add3A_85, %broadcast_in_dim3A_83 : vector<1000x1xf32>
    %jit3A_87 = arith.constant 1.000000e-07 : f32
    %max3A_88 = vector.broadcast %jit3A_87 : f32 to vector<1000x1xf32>
    %max3A_89 = arith.maximumf %max3A_88, %add3A_86 : vector<1000x1xf32>
    %sqrt3A_90 = math.sqrt %max3A_89 : vector<1000x1xf32>
    %eq3A = arith.constant 0 : i32
    %eq3A_91 = vector.broadcast %eq3A : i32 to vector<1000x128xi32>
    %eq3A_92 = arith.cmpi eq, %iota3A, %eq3A_91 : vector<1000x128xi32>
    %broadcast_in_dim3A_93 = vector.shape_cast %sqrt3A_90 : vector<1000x1xf32> to vector<1000x1xf32>
    %broadcast_in_dim3A_94 = vector.broadcast %broadcast_in_dim3A_93 : vector<1000x1xf32> to vector<1000x128xf32>
    %select_n3A_95 = arith.select %eq3A_92, %broadcast_in_dim3A_94, %div3A_79 : vector<1000x128xi1>, vector<1000x128xf32>
    %jit3A_96 = arith.constant 0.000000e+00 : f32
    %broadcast_in_dim3A_97 = vector.broadcast %jit3A_96 : f32 to vector<1000x128xf32>
    %select_n3A_98 = arith.select %gt3A_3, %select_n3A_95, %broadcast_in_dim3A_97 : vector<1000x128xi1>, vector<1000x128xf32>
    %mul3A_99 = arith.mulf %select_n3A_98, %select_n3A_98 : vector<1000x128xf32>
    %reduce_sum3A_100 = arith.constant dense<0.000000e+00> : vector<1000xf32>
    %reduce_sum3A_101 = vector.multi_reduction <add>, %mul3A_99, %reduce_sum3A_100 [1] : vector<1000x128xf32> to vector<1000xf32>
    %broadcast_in_dim3A_102 = vector.shape_cast %reduce_sum3A_101 : vector<1000xf32> to vector<1000x1xf32>
    %sqrt3A_103 = math.sqrt %broadcast_in_dim3A_102 : vector<1000x1xf32>
    %max3A_104 = arith.constant 1.000000e-15 : f32
    %max3A_105 = vector.broadcast %max3A_104 : f32 to vector<1000x1xf32>
    %max3A_106 = arith.maximumf %sqrt3A_103, %max3A_105 : vector<1000x1xf32>
    %slice3A_107 = vector.extract_strided_slice %select_n3A_95 {offsets = [0, 0], sizes = [1000, 1], strides = [1, 1]} : vector<1000x128xf32> to vector<1000x1xf32>
    %max3A_108 = arith.constant 1.00000012 : f32
    %max3A_109 = vector.broadcast %max3A_108 : f32 to vector<1000x1xf32>
    %max3A_110 = arith.maximumf %slice3A_107, %max3A_109 : vector<1000x1xf32>
    %mul3A_111 = arith.mulf %max3A_110, %max3A_110 : vector<1000x1xf32>
    %sub3A_112 = arith.constant 1.000000e+00 : f32
    %sub3A_113 = vector.broadcast %sub3A_112 : f32 to vector<1000x1xf32>
    %sub3A_114 = arith.subf %mul3A_111, %sub3A_113 : vector<1000x1xf32>
    %jit3A_115 = arith.constant 1.000000e-15 : f32
    %max3A_116 = vector.broadcast %jit3A_115 : f32 to vector<1000x1xf32>
    %max3A_117 = arith.maximumf %max3A_116, %sub3A_114 : vector<1000x1xf32>
    %sqrt3A_118 = math.sqrt %max3A_117 : vector<1000x1xf32>
    %add3A_119 = arith.addf %max3A_110, %sqrt3A_118 : vector<1000x1xf32>
    %log3A_120 = math.log %add3A_119 : vector<1000x1xf32>
    %mul3A_121 = vector.broadcast %log3A_120 : vector<1000x1xf32> to vector<1000x128xf32>
    %mul3A_122 = arith.mulf %mul3A_121, %select_n3A_98 : vector<1000x128xf32>
    %div3A_123 = vector.broadcast %max3A_106 : vector<1000x1xf32> to vector<1000x128xf32>
    %div3A_124 = arith.divf %mul3A_122, %div3A_123 : vector<1000x128xf32>
    %get3A_125 = arith.constant 0 : index
    %get3A_126 = arith.constant 0 : index
    %get3A_127 = vector.load %arg4[%get3A_125, %get3A_126] : memref<128x128xf32, #tpu.memory_space<vmem>>, vector<128x128xf32>
    %dot_general3A = arith.constant dense<0.000000e+00> : vector<1000x128xf32>
    %dot_general3A_128 = tpu.matmul %div3A_124, %get3A_127, %dot_general3A {dimension_numbers = #tpu.dot_dimension_numbers<[1], [1], [0], [0], [0, 0, 1, 0], [], []>, transpose_lhs_hint = false} : vector<1000x128xf32>, vector<128x128xf32>, vector<1000x128xf32> -> vector<1000x128xf32>
    %jit3A_129 = arith.constant 0.000000e+00 : f32
    %broadcast_in_dim3A_130 = vector.broadcast %jit3A_129 : f32 to vector<1000x128xf32>
    %select_n3A_131 = arith.select %gt3A_3, %dot_general3A_128, %broadcast_in_dim3A_130 : vector<1000x128xi1>, vector<1000x128xf32>
    %mul3A_132 = arith.mulf %select_n3A_131, %select_n3A_131 : vector<1000x128xf32>
    %reduce_sum3A_133 = arith.constant dense<0.000000e+00> : vector<1000xf32>
    %reduce_sum3A_134 = vector.multi_reduction <add>, %mul3A_132, %reduce_sum3A_133 [1] : vector<1000x128xf32> to vector<1000xf32>
    %broadcast_in_dim3A_135 = vector.shape_cast %reduce_sum3A_134 : vector<1000xf32> to vector<1000x1xf32>
    %sqrt3A_136 = math.sqrt %broadcast_in_dim3A_135 : vector<1000x1xf32>
    %max3A_137 = arith.constant 1.000000e-15 : f32
    %max3A_138 = vector.broadcast %max3A_137 : f32 to vector<1000x1xf32>
    %max3A_139 = arith.maximumf %sqrt3A_136, %max3A_138 : vector<1000x1xf32>
    %exp3A_140 = math.exp %max3A_139 : vector<1000x1xf32>
    %neg3A_141 = arith.constant 0.000000e+00 : f32
    %neg3A_142 = vector.broadcast %neg3A_141 : f32 to vector<1000x1xf32>
    %neg3A_143 = arith.subf %neg3A_142, %max3A_139 : vector<1000x1xf32>
    %exp3A_144 = math.exp %neg3A_143 : vector<1000x1xf32>
    %sub3A_145 = arith.subf %exp3A_140, %exp3A_144 : vector<1000x1xf32>
    %mul3A_146 = arith.constant 5.000000e-01 : f32
    %mul3A_147 = vector.broadcast %mul3A_146 : f32 to vector<1000x1xf32>
    %mul3A_148 = arith.mulf %mul3A_147, %sub3A_145 : vector<1000x1xf32>
    %mul3A_149 = vector.broadcast %mul3A_148 : vector<1000x1xf32> to vector<1000x128xf32>
    %mul3A_150 = arith.mulf %mul3A_149, %select_n3A_131 : vector<1000x128xf32>
    %div3A_151 = vector.broadcast %max3A_139 : vector<1000x1xf32> to vector<1000x128xf32>
    %div3A_152 = arith.divf %mul3A_150, %div3A_151 : vector<1000x128xf32>
    %mul3A_153 = arith.mulf %div3A_152, %div3A_152 : vector<1000x128xf32>
    %reduce_sum3A_154 = arith.constant dense<0.000000e+00> : vector<1000xf32>
    %reduce_sum3A_155 = vector.multi_reduction <add>, %mul3A_153, %reduce_sum3A_154 [1] : vector<1000x128xf32> to vector<1000xf32>
    %broadcast_in_dim3A_156 = vector.shape_cast %reduce_sum3A_155 : vector<1000xf32> to vector<1000x1xf32>
    %add3A_157 = arith.constant 1.000000e+00 : f32
    %add3A_158 = vector.broadcast %add3A_157 : f32 to vector<1000x1xf32>
    %add3A_159 = arith.addf %add3A_158, %broadcast_in_dim3A_156 : vector<1000x1xf32>
    %jit3A_160 = arith.constant 1.000000e-07 : f32
    %max3A_161 = vector.broadcast %jit3A_160 : f32 to vector<1000x1xf32>
    %max3A_162 = arith.maximumf %max3A_161, %add3A_159 : vector<1000x1xf32>
    %sqrt3A_163 = math.sqrt %max3A_162 : vector<1000x1xf32>
    %eq3A_164 = arith.constant 0 : i32
    %eq3A_165 = vector.broadcast %eq3A_164 : i32 to vector<1000x128xi32>
    %eq3A_166 = arith.cmpi eq, %iota3A, %eq3A_165 : vector<1000x128xi32>
    %broadcast_in_dim3A_167 = vector.shape_cast %sqrt3A_163 : vector<1000x1xf32> to vector<1000x1xf32>
    %broadcast_in_dim3A_168 = vector.broadcast %broadcast_in_dim3A_167 : vector<1000x1xf32> to vector<1000x128xf32>
    %select_n3A_169 = arith.select %eq3A_166, %broadcast_in_dim3A_168, %div3A_152 : vector<1000x128xi1>, vector<1000x128xf32>
    %get3A_170 = arith.constant 0 : index
    %get3A_171 = arith.constant 0 : index
    %get3A_172 = vector.load %arg5[%get3A_170, %get3A_171] : memref<1x128xf32, #tpu.memory_space<vmem>>, vector<1x128xf32>
    %jit3A_173 = arith.constant 0.000000e+00 : f32
    %broadcast_in_dim3A_174 = vector.shape_cast %get3A_172 : vector<1x128xf32> to vector<1x128xf32>
    %broadcast_in_dim3A_175 = vector.broadcast %broadcast_in_dim3A_174 : vector<1x128xf32> to vector<1000x128xf32>
    %broadcast_in_dim3A_176 = vector.broadcast %jit3A_173 : f32 to vector<1000x128xf32>
    %select_n3A_177 = arith.select %gt3A_3, %broadcast_in_dim3A_175, %broadcast_in_dim3A_176 : vector<1000x128xi1>, vector<1000x128xf32>
    %jit3A_178 = arith.constant 0.000000e+00 : f32
    %broadcast_in_dim3A_179 = vector.broadcast %jit3A_178 : f32 to vector<1000x128xf32>
    %select_n3A_180 = arith.select %gt3A_3, %select_n3A_177, %broadcast_in_dim3A_179 : vector<1000x128xi1>, vector<1000x128xf32>
    %mul3A_181 = arith.mulf %select_n3A_180, %select_n3A_180 : vector<1000x128xf32>
    %reduce_sum3A_182 = arith.constant dense<0.000000e+00> : vector<1000xf32>
    %reduce_sum3A_183 = vector.multi_reduction <add>, %mul3A_181, %reduce_sum3A_182 [1] : vector<1000x128xf32> to vector<1000xf32>
    %broadcast_in_dim3A_184 = vector.shape_cast %reduce_sum3A_183 : vector<1000xf32> to vector<1000x1xf32>
    %sqrt3A_185 = math.sqrt %broadcast_in_dim3A_184 : vector<1000x1xf32>
    %max3A_186 = arith.constant 1.000000e-15 : f32
    %max3A_187 = vector.broadcast %max3A_186 : f32 to vector<1000x1xf32>
    %max3A_188 = arith.maximumf %sqrt3A_185, %max3A_187 : vector<1000x1xf32>
    %exp3A_189 = math.exp %max3A_188 : vector<1000x1xf32>
    %neg3A_190 = arith.constant 0.000000e+00 : f32
    %neg3A_191 = vector.broadcast %neg3A_190 : f32 to vector<1000x1xf32>
    %neg3A_192 = arith.subf %neg3A_191, %max3A_188 : vector<1000x1xf32>
    %exp3A_193 = math.exp %neg3A_192 : vector<1000x1xf32>
    %sub3A_194 = arith.subf %exp3A_189, %exp3A_193 : vector<1000x1xf32>
    %mul3A_195 = arith.constant 5.000000e-01 : f32
    %mul3A_196 = vector.broadcast %mul3A_195 : f32 to vector<1000x1xf32>
    %mul3A_197 = arith.mulf %mul3A_196, %sub3A_194 : vector<1000x1xf32>
    %mul3A_198 = vector.broadcast %mul3A_197 : vector<1000x1xf32> to vector<1000x128xf32>
    %mul3A_199 = arith.mulf %mul3A_198, %select_n3A_180 : vector<1000x128xf32>
    %div3A_200 = vector.broadcast %max3A_188 : vector<1000x1xf32> to vector<1000x128xf32>
    %div3A_201 = arith.divf %mul3A_199, %div3A_200 : vector<1000x128xf32>
    %mul3A_202 = arith.mulf %div3A_201, %div3A_201 : vector<1000x128xf32>
    %reduce_sum3A_203 = arith.constant dense<0.000000e+00> : vector<1000xf32>
    %reduce_sum3A_204 = vector.multi_reduction <add>, %mul3A_202, %reduce_sum3A_203 [1] : vector<1000x128xf32> to vector<1000xf32>
    %broadcast_in_dim3A_205 = vector.shape_cast %reduce_sum3A_204 : vector<1000xf32> to vector<1000x1xf32>
    %add3A_206 = arith.constant 1.000000e+00 : f32
    %add3A_207 = vector.broadcast %add3A_206 : f32 to vector<1000x1xf32>
    %add3A_208 = arith.addf %add3A_207, %broadcast_in_dim3A_205 : vector<1000x1xf32>
    %jit3A_209 = arith.constant 1.000000e-07 : f32
    %max3A_210 = vector.broadcast %jit3A_209 : f32 to vector<1000x1xf32>
    %max3A_211 = arith.maximumf %max3A_210, %add3A_208 : vector<1000x1xf32>
    %sqrt3A_212 = math.sqrt %max3A_211 : vector<1000x1xf32>
    %eq3A_213 = arith.constant 0 : i32
    %eq3A_214 = vector.broadcast %eq3A_213 : i32 to vector<1000x128xi32>
    %eq3A_215 = arith.cmpi eq, %iota3A, %eq3A_214 : vector<1000x128xi32>
    %broadcast_in_dim3A_216 = vector.shape_cast %sqrt3A_212 : vector<1000x1xf32> to vector<1000x1xf32>
    %broadcast_in_dim3A_217 = vector.broadcast %broadcast_in_dim3A_216 : vector<1000x1xf32> to vector<1000x128xf32>
    %select_n3A_218 = arith.select %eq3A_215, %broadcast_in_dim3A_217, %div3A_201 : vector<1000x128xi1>, vector<1000x128xf32>
    %jit3A_219 = arith.constant 0.000000e+00 : f32
    %broadcast_in_dim3A_220 = vector.broadcast %jit3A_219 : f32 to vector<1000x128xf32>
    %select_n3A_221 = arith.select %gt3A_3, %select_n3A_218, %broadcast_in_dim3A_220 : vector<1000x128xi1>, vector<1000x128xf32>
    %mul3A_222 = arith.mulf %select_n3A_221, %select_n3A_221 : vector<1000x128xf32>
    %reduce_sum3A_223 = arith.constant dense<0.000000e+00> : vector<1000xf32>
    %reduce_sum3A_224 = vector.multi_reduction <add>, %mul3A_222, %reduce_sum3A_223 [1] : vector<1000x128xf32> to vector<1000xf32>
    %broadcast_in_dim3A_225 = vector.shape_cast %reduce_sum3A_224 : vector<1000xf32> to vector<1000x1xf32>
    %sqrt3A_226 = math.sqrt %broadcast_in_dim3A_225 : vector<1000x1xf32>
    %max3A_227 = arith.constant 1.000000e-15 : f32
    %max3A_228 = vector.broadcast %max3A_227 : f32 to vector<1000x1xf32>
    %max3A_229 = arith.maximumf %sqrt3A_226, %max3A_228 : vector<1000x1xf32>
    %slice3A_230 = vector.extract_strided_slice %select_n3A_218 {offsets = [0, 0], sizes = [1000, 1], strides = [1, 1]} : vector<1000x128xf32> to vector<1000x1xf32>
    %max3A_231 = arith.constant 1.00000012 : f32
    %max3A_232 = vector.broadcast %max3A_231 : f32 to vector<1000x1xf32>
    %max3A_233 = arith.maximumf %slice3A_230, %max3A_232 : vector<1000x1xf32>
    %mul3A_234 = arith.mulf %max3A_233, %max3A_233 : vector<1000x1xf32>
    %sub3A_235 = arith.constant 1.000000e+00 : f32
    %sub3A_236 = vector.broadcast %sub3A_235 : f32 to vector<1000x1xf32>
    %sub3A_237 = arith.subf %mul3A_234, %sub3A_236 : vector<1000x1xf32>
    %jit3A_238 = arith.constant 1.000000e-15 : f32
    %max3A_239 = vector.broadcast %jit3A_238 : f32 to vector<1000x1xf32>
    %max3A_240 = arith.maximumf %max3A_239, %sub3A_237 : vector<1000x1xf32>
    %sqrt3A_241 = math.sqrt %max3A_240 : vector<1000x1xf32>
    %add3A_242 = arith.addf %max3A_233, %sqrt3A_241 : vector<1000x1xf32>
    %log3A_243 = math.log %add3A_242 : vector<1000x1xf32>
    %mul3A_244 = vector.broadcast %log3A_243 : vector<1000x1xf32> to vector<1000x128xf32>
    %mul3A_245 = arith.mulf %mul3A_244, %select_n3A_221 : vector<1000x128xf32>
    %div3A_246 = vector.broadcast %max3A_229 : vector<1000x1xf32> to vector<1000x128xf32>
    %div3A_247 = arith.divf %mul3A_245, %div3A_246 : vector<1000x128xf32>
    %slice3A_248 = vector.extract_strided_slice %select_n3A_169 {offsets = [0, 0], sizes = [1000, 1], strides = [1, 1]} : vector<1000x128xf32> to vector<1000x1xf32>
    %jit3A_249 = arith.constant 0.000000e+00 : f32
    %broadcast_in_dim3A_250 = vector.broadcast %jit3A_249 : f32 to vector<1000x128xf32>
    %select_n3A_251 = arith.select %gt3A_3, %select_n3A_169, %broadcast_in_dim3A_250 : vector<1000x128xi1>, vector<1000x128xf32>
    %mul3A_252 = arith.mulf %select_n3A_251, %select_n3A_251 : vector<1000x128xf32>
    %reduce_sum3A_253 = arith.constant dense<0.000000e+00> : vector<1000xf32>
    %reduce_sum3A_254 = vector.multi_reduction <add>, %mul3A_252, %reduce_sum3A_253 [1] : vector<1000x128xf32> to vector<1000xf32>
    %broadcast_in_dim3A_255 = vector.shape_cast %reduce_sum3A_254 : vector<1000xf32> to vector<1000x1xf32>
    %sqrt3A_256 = math.sqrt %broadcast_in_dim3A_255 : vector<1000x1xf32>
    %max3A_257 = arith.constant 1.000000e-15 : f32
    %max3A_258 = vector.broadcast %max3A_257 : f32 to vector<1000x1xf32>
    %max3A_259 = arith.maximumf %sqrt3A_256, %max3A_258 : vector<1000x1xf32>
    %div3A_260 = vector.broadcast %max3A_259 : vector<1000x1xf32> to vector<1000x128xf32>
    %div3A_261 = arith.divf %select_n3A_251, %div3A_260 : vector<1000x128xf32>
    %eq3A_262 = arith.constant 0 : i32
    %eq3A_263 = vector.broadcast %eq3A_262 : i32 to vector<1000x128xi32>
    %eq3A_264 = arith.cmpi eq, %iota3A, %eq3A_263 : vector<1000x128xi32>
    %neg3A_265 = arith.constant 0.000000e+00 : f32
    %neg3A_266 = vector.broadcast %neg3A_265 : f32 to vector<1000x1xf32>
    %neg3A_267 = arith.subf %neg3A_266, %max3A_259 : vector<1000x1xf32>
    %sub3A_268 = arith.constant 1.000000e+00 : f32
    %sub3A_269 = vector.broadcast %sub3A_268 : f32 to vector<1000x1xf32>
    %sub3A_270 = arith.subf %sub3A_269, %slice3A_248 : vector<1000x1xf32>
    %mul3A_271 = vector.broadcast %sub3A_270 : vector<1000x1xf32> to vector<1000x128xf32>
    %mul3A_272 = arith.mulf %mul3A_271, %div3A_261 : vector<1000x128xf32>
    %broadcast_in_dim3A_273 = vector.shape_cast %neg3A_267 : vector<1000x1xf32> to vector<1000x1xf32>
    %broadcast_in_dim3A_274 = vector.broadcast %broadcast_in_dim3A_273 : vector<1000x1xf32> to vector<1000x128xf32>
    %select_n3A_275 = arith.select %eq3A_264, %broadcast_in_dim3A_274, %mul3A_272 : vector<1000x128xi1>, vector<1000x128xf32>
    %mul3A_276 = arith.mulf %div3A_261, %div3A_247 : vector<1000x128xf32>
    %reduce_sum3A_277 = arith.constant dense<0.000000e+00> : vector<1000xf32>
    %reduce_sum3A_278 = vector.multi_reduction <add>, %mul3A_276, %reduce_sum3A_277 [1] : vector<1000x128xf32> to vector<1000xf32>
    %broadcast_in_dim3A_279 = vector.shape_cast %reduce_sum3A_278 : vector<1000xf32> to vector<1000x1xf32>
    %mul3A_280 = vector.broadcast %broadcast_in_dim3A_279 : vector<1000x1xf32> to vector<1000x128xf32>
    %mul3A_281 = arith.mulf %mul3A_280, %select_n3A_275 : vector<1000x128xf32>
    %sub3A_282 = arith.subf %div3A_247, %mul3A_281 : vector<1000x128xf32>
    %jit3A_283 = arith.constant 0.000000e+00 : f32
    %broadcast_in_dim3A_284 = vector.broadcast %jit3A_283 : f32 to vector<1000x128xf32>
    %select_n3A_285 = arith.select %gt3A_3, %sub3A_282, %broadcast_in_dim3A_284 : vector<1000x128xi1>, vector<1000x128xf32>
    %mul3A_286 = arith.mulf %select_n3A_251, %select_n3A_285 : vector<1000x128xf32>
    %reduce_sum3A_287 = arith.constant dense<0.000000e+00> : vector<1000xf32>
    %reduce_sum3A_288 = vector.multi_reduction <add>, %mul3A_286, %reduce_sum3A_287 [1] : vector<1000x128xf32> to vector<1000xf32>
    %broadcast_in_dim3A_289 = vector.shape_cast %reduce_sum3A_288 : vector<1000xf32> to vector<1000x1xf32>
    %max3A_290 = arith.constant 1.000000e-07 : f32
    %max3A_291 = vector.broadcast %max3A_290 : f32 to vector<1000x1xf32>
    %max3A_292 = arith.maximumf %slice3A_248, %max3A_291 : vector<1000x1xf32>
    %div3A_293 = arith.divf %broadcast_in_dim3A_289, %max3A_292 : vector<1000x1xf32>
    %eq3A_294 = arith.constant 0 : i32
    %eq3A_295 = vector.broadcast %eq3A_294 : i32 to vector<1000x128xi32>
    %eq3A_296 = arith.cmpi eq, %iota3A, %eq3A_295 : vector<1000x128xi32>
    %broadcast_in_dim3A_297 = vector.shape_cast %div3A_293 : vector<1000x1xf32> to vector<1000x1xf32>
    %broadcast_in_dim3A_298 = vector.broadcast %broadcast_in_dim3A_297 : vector<1000x1xf32> to vector<1000x128xf32>
    %select_n3A_299 = arith.select %eq3A_296, %broadcast_in_dim3A_298, %sub3A_282 : vector<1000x128xi1>, vector<1000x128xf32>
    %mul3A_300 = arith.mulf %select_n3A_299, %select_n3A_299 : vector<1000x128xf32>
    %reduce_sum3A_301 = arith.constant dense<0.000000e+00> : vector<1000xf32>
    %reduce_sum3A_302 = vector.multi_reduction <add>, %mul3A_300, %reduce_sum3A_301 [1] : vector<1000x128xf32> to vector<1000xf32>
    %broadcast_in_dim3A_303 = vector.shape_cast %reduce_sum3A_302 : vector<1000xf32> to vector<1000x1xf32>
    %mul3A_304 = arith.constant 2.000000e+00 : f32
    %mul3A_305 = vector.broadcast %mul3A_304 : f32 to vector<1000x1xf32>
    %mul3A_306 = arith.mulf %mul3A_305, %div3A_293 : vector<1000x1xf32>
    %mul3A_307 = arith.mulf %mul3A_306, %div3A_293 : vector<1000x1xf32>
    %sub3A_308 = arith.subf %broadcast_in_dim3A_303, %mul3A_307 : vector<1000x1xf32>
    %jit3A_309 = arith.constant 1.000000e-07 : f32
    %max3A_310 = vector.broadcast %jit3A_309 : f32 to vector<1000x1xf32>
    %max3A_311 = arith.maximumf %max3A_310, %sub3A_308 : vector<1000x1xf32>
    %sqrt3A_312 = math.sqrt %max3A_311 : vector<1000x1xf32>
    %min3A = arith.constant 1.000000e+06 : f32
    %min3A_313 = vector.broadcast %min3A : f32 to vector<1000x1xf32>
    %min3A_314 = arith.minimumf %sqrt3A_312, %min3A_313 : vector<1000x1xf32>
    %max3A_315 = arith.constant 1.000000e-15 : f32
    %max3A_316 = vector.broadcast %max3A_315 : f32 to vector<1000x1xf32>
    %max3A_317 = arith.maximumf %min3A_314, %max3A_316 : vector<1000x1xf32>
    %exp3A_318 = math.exp %max3A_317 : vector<1000x1xf32>
    %neg3A_319 = arith.constant 0.000000e+00 : f32
    %neg3A_320 = vector.broadcast %neg3A_319 : f32 to vector<1000x1xf32>
    %neg3A_321 = arith.subf %neg3A_320, %max3A_317 : vector<1000x1xf32>
    %exp3A_322 = math.exp %neg3A_321 : vector<1000x1xf32>
    %add3A_323 = arith.addf %exp3A_318, %exp3A_322 : vector<1000x1xf32>
    %mul3A_324 = arith.constant 5.000000e-01 : f32
    %mul3A_325 = vector.broadcast %mul3A_324 : f32 to vector<1000x1xf32>
    %mul3A_326 = arith.mulf %mul3A_325, %add3A_323 : vector<1000x1xf32>
    %mul3A_327 = vector.broadcast %mul3A_326 : vector<1000x1xf32> to vector<1000x128xf32>
    %mul3A_328 = arith.mulf %mul3A_327, %select_n3A_251 : vector<1000x128xf32>
    %exp3A_329 = math.exp %max3A_317 : vector<1000x1xf32>
    %neg3A_330 = arith.constant 0.000000e+00 : f32
    %neg3A_331 = vector.broadcast %neg3A_330 : f32 to vector<1000x1xf32>
    %neg3A_332 = arith.subf %neg3A_331, %max3A_317 : vector<1000x1xf32>
    %exp3A_333 = math.exp %neg3A_332 : vector<1000x1xf32>
    %sub3A_334 = arith.subf %exp3A_329, %exp3A_333 : vector<1000x1xf32>
    %mul3A_335 = arith.constant 5.000000e-01 : f32
    %mul3A_336 = vector.broadcast %mul3A_335 : f32 to vector<1000x1xf32>
    %mul3A_337 = arith.mulf %mul3A_336, %sub3A_334 : vector<1000x1xf32>
    %jit3A_338 = arith.constant 0.000000e+00 : f32
    %broadcast_in_dim3A_339 = vector.broadcast %jit3A_338 : f32 to vector<1000x128xf32>
    %select_n3A_340 = arith.select %gt3A_3, %select_n3A_299, %broadcast_in_dim3A_339 : vector<1000x128xi1>, vector<1000x128xf32>
    %mul3A_341 = vector.broadcast %mul3A_337 : vector<1000x1xf32> to vector<1000x128xf32>
    %mul3A_342 = arith.mulf %mul3A_341, %select_n3A_340 : vector<1000x128xf32>
    %div3A_343 = vector.broadcast %max3A_317 : vector<1000x1xf32> to vector<1000x128xf32>
    %div3A_344 = arith.divf %mul3A_342, %div3A_343 : vector<1000x128xf32>
    %add3A_345 = arith.addf %mul3A_328, %div3A_344 : vector<1000x128xf32>
    %mul3A_346 = arith.mulf %add3A_345, %add3A_345 : vector<1000x128xf32>
    %reduce_sum3A_347 = arith.constant dense<0.000000e+00> : vector<1000xf32>
    %reduce_sum3A_348 = vector.multi_reduction <add>, %mul3A_346, %reduce_sum3A_347 [1] : vector<1000x128xf32> to vector<1000xf32>
    %broadcast_in_dim3A_349 = vector.shape_cast %reduce_sum3A_348 : vector<1000xf32> to vector<1000x1xf32>
    %add3A_350 = arith.constant 1.000000e+00 : f32
    %add3A_351 = vector.broadcast %add3A_350 : f32 to vector<1000x1xf32>
    %add3A_352 = arith.addf %add3A_351, %broadcast_in_dim3A_349 : vector<1000x1xf32>
    %jit3A_353 = arith.constant 1.000000e-07 : f32
    %max3A_354 = vector.broadcast %jit3A_353 : f32 to vector<1000x1xf32>
    %max3A_355 = arith.maximumf %max3A_354, %add3A_352 : vector<1000x1xf32>
    %sqrt3A_356 = math.sqrt %max3A_355 : vector<1000x1xf32>
    %eq3A_357 = arith.constant 0 : i32
    %eq3A_358 = vector.broadcast %eq3A_357 : i32 to vector<1000x128xi32>
    %eq3A_359 = arith.cmpi eq, %iota3A, %eq3A_358 : vector<1000x128xi32>
    %broadcast_in_dim3A_360 = vector.shape_cast %sqrt3A_356 : vector<1000x1xf32> to vector<1000x1xf32>
    %broadcast_in_dim3A_361 = vector.broadcast %broadcast_in_dim3A_360 : vector<1000x1xf32> to vector<1000x128xf32>
    %select_n3A_362 = arith.select %eq3A_359, %broadcast_in_dim3A_361, %add3A_345 : vector<1000x128xi1>, vector<1000x128xf32>
    %jit3A_363 = arith.constant 0.000000e+00 : f32
    %broadcast_in_dim3A_364 = vector.broadcast %jit3A_363 : f32 to vector<1000x128xf32>
    %select_n3A_365 = arith.select %gt3A_3, %select_n3A_362, %broadcast_in_dim3A_364 : vector<1000x128xi1>, vector<1000x128xf32>
    %mul3A_366 = arith.mulf %select_n3A_365, %select_n3A_365 : vector<1000x128xf32>
    %reduce_sum3A_367 = arith.constant dense<0.000000e+00> : vector<1000xf32>
    %reduce_sum3A_368 = vector.multi_reduction <add>, %mul3A_366, %reduce_sum3A_367 [1] : vector<1000x128xf32> to vector<1000xf32>
    %broadcast_in_dim3A_369 = vector.shape_cast %reduce_sum3A_368 : vector<1000xf32> to vector<1000x1xf32>
    %sqrt3A_370 = math.sqrt %broadcast_in_dim3A_369 : vector<1000x1xf32>
    %max3A_371 = arith.constant 1.000000e-15 : f32
    %max3A_372 = vector.broadcast %max3A_371 : f32 to vector<1000x1xf32>
    %max3A_373 = arith.maximumf %sqrt3A_370, %max3A_372 : vector<1000x1xf32>
    %slice3A_374 = vector.extract_strided_slice %select_n3A_362 {offsets = [0, 0], sizes = [1000, 1], strides = [1, 1]} : vector<1000x128xf32> to vector<1000x1xf32>
    %max3A_375 = arith.constant 1.00000012 : f32
    %max3A_376 = vector.broadcast %max3A_375 : f32 to vector<1000x1xf32>
    %max3A_377 = arith.maximumf %slice3A_374, %max3A_376 : vector<1000x1xf32>
    %mul3A_378 = arith.mulf %max3A_377, %max3A_377 : vector<1000x1xf32>
    %sub3A_379 = arith.constant 1.000000e+00 : f32
    %sub3A_380 = vector.broadcast %sub3A_379 : f32 to vector<1000x1xf32>
    %sub3A_381 = arith.subf %mul3A_378, %sub3A_380 : vector<1000x1xf32>
    %jit3A_382 = arith.constant 1.000000e-15 : f32
    %max3A_383 = vector.broadcast %jit3A_382 : f32 to vector<1000x1xf32>
    %max3A_384 = arith.maximumf %max3A_383, %sub3A_381 : vector<1000x1xf32>
    %sqrt3A_385 = math.sqrt %max3A_384 : vector<1000x1xf32>
    %add3A_386 = arith.addf %max3A_377, %sqrt3A_385 : vector<1000x1xf32>
    %log3A_387 = math.log %add3A_386 : vector<1000x1xf32>
    %mul3A_388 = vector.broadcast %log3A_387 : vector<1000x1xf32> to vector<1000x128xf32>
    %mul3A_389 = arith.mulf %mul3A_388, %select_n3A_365 : vector<1000x128xf32>
    %div3A_390 = vector.broadcast %max3A_373 : vector<1000x1xf32> to vector<1000x128xf32>
    %div3A_391 = arith.divf %mul3A_389, %div3A_390 : vector<1000x128xf32>
    %get3A_392 = arith.constant 0 : index
    %get3A_393 = arith.constant 0 : index
    %get3A_394 = vector.load %arg6[%get3A_392, %get3A_393] : memref<128x128xf32, #tpu.memory_space<vmem>>, vector<128x128xf32>
    %dot_general3A_395 = arith.constant dense<0.000000e+00> : vector<1000x128xf32>
    %dot_general3A_396 = tpu.matmul %div3A_391, %get3A_394, %dot_general3A_395 {dimension_numbers = #tpu.dot_dimension_numbers<[1], [1], [0], [0], [0, 0, 1, 0], [], []>, transpose_lhs_hint = false} : vector<1000x128xf32>, vector<128x128xf32>, vector<1000x128xf32> -> vector<1000x128xf32>
    %get3A_397 = arith.constant 0 : index
    %get3A_398 = arith.constant 0 : index
    %get3A_399 = vector.load %arg8[%get3A_397, %get3A_398] : memref<1x128xf32, #tpu.memory_space<vmem>>, vector<1x128xf32>
    %add3A_400 = vector.broadcast %get3A_399 : vector<1x128xf32> to vector<1000x128xf32>
    %add3A_401 = arith.addf %dot_general3A_396, %add3A_400 : vector<1000x128xf32>
    %get3A_402 = arith.constant 0 : index
    %get3A_403 = arith.constant 0 : index
    %get3A_404 = vector.load %arg7[%get3A_402, %get3A_403] : memref<128x128xf32, #tpu.memory_space<vmem>>, vector<128x128xf32>
    %dot_general3A_405 = arith.constant dense<0.000000e+00> : vector<1000x128xf32>
    %dot_general3A_406 = tpu.matmul %div3A_391, %get3A_404, %dot_general3A_405 {dimension_numbers = #tpu.dot_dimension_numbers<[1], [1], [0], [0], [0, 0, 1, 0], [], []>, transpose_lhs_hint = false} : vector<1000x128xf32>, vector<128x128xf32>, vector<1000x128xf32> -> vector<1000x128xf32>
    %concatenate3A = tpu.concatenate %select_n3A_362, %add3A_401 in 1 : vector<1000x128xf32>, vector<1000x128xf32> -> vector<1000x256xf32>
    %swap3A = arith.constant 0 : index
    %swap3A_407 = arith.constant 0 : index
    %swap3A_408 = vector.load %arg9[%swap3A, %swap3A_407] : memref<1000x256xf32, #tpu.memory_space<vmem>>, vector<1000x256xf32>
    tpu.vector_store %arg9[%swap3A, %swap3A_407], %concatenate3A {strides = array<i32>} : memref<1000x256xf32, #tpu.memory_space<vmem>>, vector<1000x256xf32>,
    %concatenate3A_409 = tpu.concatenate %select_n3A_362, %dot_general3A_406 in 1 : vector<1000x128xf32>, vector<1000x128xf32> -> vector<1000x256xf32>
    %swap3A_410 = arith.constant 0 : index
    %swap3A_411 = arith.constant 0 : index
    %swap3A_412 = vector.load %arg10[%swap3A_410, %swap3A_411] : memref<1000x256xf32, #tpu.memory_space<vmem>>, vector<1000x256xf32>
    tpu.vector_store %arg10[%swap3A_410, %swap3A_411], %concatenate3A_409 {strides = array<i32>} : memref<1000x256xf32, #tpu.memory_space<vmem>>, vector<1000x256xf32>,
    %swap3A_413 = arith.constant 0 : index
    %swap3A_414 = arith.constant 0 : index
    %swap3A_415 = vector.load %arg11[%swap3A_413, %swap3A_414] : memref<1000x128xf32, #tpu.memory_space<vmem>>, vector<1000x128xf32>
    tpu.vector_store %arg11[%swap3A_413, %swap3A_414], %select_n3A_362 {strides = array<i32>} : memref<1000x128xf32, #tpu.memory_space<vmem>>, vector<1000x128xf32>,
    return
  }
  func.func @transform_0(%arg0: i32) -> (i32, i32) {
    %c0_i32 = arith.constant 0 : i32
    %c0_i32_0 = arith.constant 0 : i32
    return %arg0, %c0_i32 : i32, i32
  }
  func.func @transform_1(%arg0: i32) -> (i32, i32) {
    %c0_i32 = arith.constant 0 : i32
    %c0_i32_0 = arith.constant 0 : i32
    %c0_i32_1 = arith.constant 0 : i32
    return %c0_i32, %c0_i32_0 : i32, i32
  }
  func.func @transform_2(%arg0: i32) -> (i32, i32) {
    %c0_i32 = arith.constant 0 : i32
    %c0_i32_0 = arith.constant 0 : i32
    %c0_i32_1 = arith.constant 0 : i32
    return %c0_i32, %c0_i32_0 : i32, i32
  }
  func.func @transform_3(%arg0: i32) -> (i32, i32) {
    %c0_i32 = arith.constant 0 : i32
    %c0_i32_0 = arith.constant 0 : i32
    %c0_i32_1 = arith.constant 0 : i32
    return %c0_i32, %c0_i32_0 : i32, i32
  }
  func.func @transform_4(%arg0: i32) -> (i32, i32) {
    %c0_i32 = arith.constant 0 : i32
    %c0_i32_0 = arith.constant 0 : i32
    %c0_i32_1 = arith.constant 0 : i32
    return %c0_i32, %c0_i32_0 : i32, i32
  }
  func.func @transform_5(%arg0: i32) -> (i32, i32) {
    %c0_i32 = arith.constant 0 : i32
    %c0_i32_0 = arith.constant 0 : i32
    %c0_i32_1 = arith.constant 0 : i32
    return %c0_i32, %c0_i32_0 : i32, i32
  }
  func.func @transform_6(%arg0: i32) -> (i32, i32) {
    %c0_i32 = arith.constant 0 : i32
    %c0_i32_0 = arith.constant 0 : i32
    %c0_i32_1 = arith.constant 0 : i32
    return %c0_i32, %c0_i32_0 : i32, i32
  }
  func.func @transform_7(%arg0: i32) -> (i32, i32) {
    %c0_i32 = arith.constant 0 : i32
    %c0_i32_0 = arith.constant 0 : i32
    %c0_i32_1 = arith.constant 0 : i32
    return %c0_i32, %c0_i32_0 : i32, i32
  }
  func.func @transform_8(%arg0: i32) -> (i32, i32) {
    %c0_i32 = arith.constant 0 : i32
    %c0_i32_0 = arith.constant 0 : i32
    return %arg0, %c0_i32 : i32, i32
  }
  func.func @transform_9(%arg0: i32) -> (i32, i32) {
    %c0_i32 = arith.constant 0 : i32
    %c0_i32_0 = arith.constant 0 : i32
    return %arg0, %c0_i32 : i32, i32
  }
  func.func @transform_10(%arg0: i32) -> (i32, i32) {
    %c0_i32 = arith.constant 0 : i32
    %c0_i32_0 = arith.constant 0 : i32
    return %arg0, %c0_i32 : i32, i32
  }
}

module attributes {stable_mosaic.version = 14 : i64} {
  func.func @_final_body(%arg0: i32, %arg1: memref<1000x128xf32, #tpu.memory_space<vmem>>, %arg2: memref<2x1000x128xf32, #tpu.memory_space<vmem>>, %arg3: memref<1000x128xf32, #tpu.memory_space<vmem>>) attributes {dimension_semantics = [#tpu.dimension_semantics<arbitrary>], iteration_bounds = array<i64: 10>, scalar_prefetch = 0 : i64, scratch_operands = 0 : i64, tpu.core_type = #tpu.core_type<tc>, window_params = [{transform_indices = @transform_0, window_bounds = array<i64: 1000, 128>}, {transform_indices = @transform_1, window_bounds = array<i64: 2, 1000, 128>}, {transform_indices = @transform_2, window_bounds = array<i64: 1000, 128>}]} {
    %get3A = arith.constant 0 : index
    %get3A_0 = arith.constant 0 : index
    %get3A_1 = vector.load %arg1[%get3A, %get3A_0] : memref<1000x128xf32, #tpu.memory_space<vmem>>, vector<1000x128xf32>
    %get3A_2 = arith.constant 0 : index
    %get3A_3 = arith.constant 0 : index
    %get3A_4 = arith.constant 0 : index
    %get3A_5 = vector.load %arg2[%get3A_2, %get3A_3, %get3A_4] : memref<2x1000x128xf32, #tpu.memory_space<vmem>>, vector<2x1000x128xf32>
    %slice3A = vector.extract_strided_slice %get3A_5 {offsets = [0, 0, 0], sizes = [1, 1000, 128], strides = [1, 1, 1]} : vector<2x1000x128xf32> to vector<1x1000x128xf32>
    %squeeze3A = vector.shape_cast %slice3A : vector<1x1000x128xf32> to vector<1000x128xf32>
    %slice3A_6 = vector.extract_strided_slice %get3A_5 {offsets = [1, 0, 0], sizes = [1, 1000, 128], strides = [1, 1, 1]} : vector<2x1000x128xf32> to vector<1x1000x128xf32>
    %squeeze3A_7 = vector.shape_cast %slice3A_6 : vector<1x1000x128xf32> to vector<1000x128xf32>
    %add3A = arith.addf %squeeze3A, %squeeze3A_7 : vector<1000x128xf32>
    %iota3A = tpu.iota {dimensions = array<i32: 1>} : vector<1000x128xi32>
    %gt3A = arith.constant 0 : i32
    %gt3A_8 = vector.broadcast %gt3A : i32 to vector<1000x128xi32>
    %gt3A_9 = arith.cmpi sgt, %iota3A, %gt3A_8 : vector<1000x128xi32>
    %jit3A = arith.constant 0.000000e+00 : f32
    %broadcast_in_dim3A = vector.broadcast %jit3A : f32 to vector<1000x128xf32>
    %select_n3A = arith.select %gt3A_9, %get3A_1, %broadcast_in_dim3A : vector<1000x128xi1>, vector<1000x128xf32>
    %slice3A_10 = vector.extract_strided_slice %add3A {offsets = [0, 0], sizes = [1000, 1], strides = [1, 1]} : vector<1000x128xf32> to vector<1000x1xf32>
    %mul3A = arith.mulf %add3A, %add3A : vector<1000x128xf32>
    %reduce_sum3A = arith.constant dense<0.000000e+00> : vector<1000xf32>
    %reduce_sum3A_11 = vector.multi_reduction <add>, %mul3A, %reduce_sum3A [1] : vector<1000x128xf32> to vector<1000xf32>
    %broadcast_in_dim3A_12 = vector.shape_cast %reduce_sum3A_11 : vector<1000xf32> to vector<1000x1xf32>
    %mul3A_13 = arith.constant 2.000000e+00 : f32
    %mul3A_14 = vector.broadcast %mul3A_13 : f32 to vector<1000x1xf32>
    %mul3A_15 = arith.mulf %mul3A_14, %slice3A_10 : vector<1000x1xf32>
    %mul3A_16 = arith.mulf %mul3A_15, %slice3A_10 : vector<1000x1xf32>
    %sub3A = arith.subf %broadcast_in_dim3A_12, %mul3A_16 : vector<1000x1xf32>
    %jit3A_17 = arith.constant 1.000000e-07 : f32
    %max3A = vector.broadcast %jit3A_17 : f32 to vector<1000x1xf32>
    %max3A_18 = arith.maximumf %max3A, %sub3A : vector<1000x1xf32>
    %sqrt3A = math.sqrt %max3A_18 : vector<1000x1xf32>
    %min3A = arith.constant 1.000000e+06 : f32
    %min3A_19 = vector.broadcast %min3A : f32 to vector<1000x1xf32>
    %min3A_20 = arith.minimumf %sqrt3A, %min3A_19 : vector<1000x1xf32>
    %max3A_21 = arith.constant 1.000000e-15 : f32
    %max3A_22 = vector.broadcast %max3A_21 : f32 to vector<1000x1xf32>
    %max3A_23 = arith.maximumf %min3A_20, %max3A_22 : vector<1000x1xf32>
    %exp3A = math.exp %max3A_23 : vector<1000x1xf32>
    %neg3A = arith.constant 0.000000e+00 : f32
    %neg3A_24 = vector.broadcast %neg3A : f32 to vector<1000x1xf32>
    %neg3A_25 = arith.subf %neg3A_24, %max3A_23 : vector<1000x1xf32>
    %exp3A_26 = math.exp %neg3A_25 : vector<1000x1xf32>
    %add3A_27 = arith.addf %exp3A, %exp3A_26 : vector<1000x1xf32>
    %mul3A_28 = arith.constant 5.000000e-01 : f32
    %mul3A_29 = vector.broadcast %mul3A_28 : f32 to vector<1000x1xf32>
    %mul3A_30 = arith.mulf %mul3A_29, %add3A_27 : vector<1000x1xf32>
    %mul3A_31 = vector.broadcast %mul3A_30 : vector<1000x1xf32> to vector<1000x128xf32>
    %mul3A_32 = arith.mulf %mul3A_31, %select_n3A : vector<1000x128xf32>
    %exp3A_33 = math.exp %max3A_23 : vector<1000x1xf32>
    %neg3A_34 = arith.constant 0.000000e+00 : f32
    %neg3A_35 = vector.broadcast %neg3A_34 : f32 to vector<1000x1xf32>
    %neg3A_36 = arith.subf %neg3A_35, %max3A_23 : vector<1000x1xf32>
    %exp3A_37 = math.exp %neg3A_36 : vector<1000x1xf32>
    %sub3A_38 = arith.subf %exp3A_33, %exp3A_37 : vector<1000x1xf32>
    %mul3A_39 = arith.constant 5.000000e-01 : f32
    %mul3A_40 = vector.broadcast %mul3A_39 : f32 to vector<1000x1xf32>
    %mul3A_41 = arith.mulf %mul3A_40, %sub3A_38 : vector<1000x1xf32>
    %jit3A_42 = arith.constant 0.000000e+00 : f32
    %broadcast_in_dim3A_43 = vector.broadcast %jit3A_42 : f32 to vector<1000x128xf32>
    %select_n3A_44 = arith.select %gt3A_9, %add3A, %broadcast_in_dim3A_43 : vector<1000x128xi1>, vector<1000x128xf32>
    %mul3A_45 = vector.broadcast %mul3A_41 : vector<1000x1xf32> to vector<1000x128xf32>
    %mul3A_46 = arith.mulf %mul3A_45, %select_n3A_44 : vector<1000x128xf32>
    %div3A = vector.broadcast %max3A_23 : vector<1000x1xf32> to vector<1000x128xf32>
    %div3A_47 = arith.divf %mul3A_46, %div3A : vector<1000x128xf32>
    %add3A_48 = arith.addf %mul3A_32, %div3A_47 : vector<1000x128xf32>
    %mul3A_49 = arith.mulf %add3A_48, %add3A_48 : vector<1000x128xf32>
    %reduce_sum3A_50 = arith.constant dense<0.000000e+00> : vector<1000xf32>
    %reduce_sum3A_51 = vector.multi_reduction <add>, %mul3A_49, %reduce_sum3A_50 [1] : vector<1000x128xf32> to vector<1000xf32>
    %broadcast_in_dim3A_52 = vector.shape_cast %reduce_sum3A_51 : vector<1000xf32> to vector<1000x1xf32>
    %add3A_53 = arith.constant 1.000000e+00 : f32
    %add3A_54 = vector.broadcast %add3A_53 : f32 to vector<1000x1xf32>
    %add3A_55 = arith.addf %add3A_54, %broadcast_in_dim3A_52 : vector<1000x1xf32>
    %jit3A_56 = arith.constant 1.000000e-07 : f32
    %max3A_57 = vector.broadcast %jit3A_56 : f32 to vector<1000x1xf32>
    %max3A_58 = arith.maximumf %max3A_57, %add3A_55 : vector<1000x1xf32>
    %sqrt3A_59 = math.sqrt %max3A_58 : vector<1000x1xf32>
    %mul3A_60 = arith.mulf %add3A_48, %add3A_48 : vector<1000x128xf32>
    %reduce_sum3A_61 = arith.constant dense<0.000000e+00> : vector<1000xf32>
    %reduce_sum3A_62 = vector.multi_reduction <add>, %mul3A_60, %reduce_sum3A_61 [1] : vector<1000x128xf32> to vector<1000xf32>
    %broadcast_in_dim3A_63 = vector.shape_cast %reduce_sum3A_62 : vector<1000xf32> to vector<1000x1xf32>
    %sqrt3A_64 = math.sqrt %broadcast_in_dim3A_63 : vector<1000x1xf32>
    %max3A_65 = arith.constant 1.000000e-15 : f32
    %max3A_66 = vector.broadcast %max3A_65 : f32 to vector<1000x1xf32>
    %max3A_67 = arith.maximumf %sqrt3A_64, %max3A_66 : vector<1000x1xf32>
    %max3A_68 = arith.constant 1.00000012 : f32
    %max3A_69 = vector.broadcast %max3A_68 : f32 to vector<1000x1xf32>
    %max3A_70 = arith.maximumf %sqrt3A_59, %max3A_69 : vector<1000x1xf32>
    %mul3A_71 = arith.mulf %max3A_70, %max3A_70 : vector<1000x1xf32>
    %sub3A_72 = arith.constant 1.000000e+00 : f32
    %sub3A_73 = vector.broadcast %sub3A_72 : f32 to vector<1000x1xf32>
    %sub3A_74 = arith.subf %mul3A_71, %sub3A_73 : vector<1000x1xf32>
    %jit3A_75 = arith.constant 1.000000e-15 : f32
    %max3A_76 = vector.broadcast %jit3A_75 : f32 to vector<1000x1xf32>
    %max3A_77 = arith.maximumf %max3A_76, %sub3A_74 : vector<1000x1xf32>
    %sqrt3A_78 = math.sqrt %max3A_77 : vector<1000x1xf32>
    %add3A_79 = arith.addf %max3A_70, %sqrt3A_78 : vector<1000x1xf32>
    %log3A = math.log %add3A_79 : vector<1000x1xf32>
    %mul3A_80 = vector.broadcast %log3A : vector<1000x1xf32> to vector<1000x128xf32>
    %mul3A_81 = arith.mulf %mul3A_80, %add3A_48 : vector<1000x128xf32>
    %div3A_82 = vector.broadcast %max3A_67 : vector<1000x1xf32> to vector<1000x128xf32>
    %div3A_83 = arith.divf %mul3A_81, %div3A_82 : vector<1000x128xf32>
    %neg3A_84 = arith.constant 0.000000e+00 : f32
    %neg3A_85 = vector.broadcast %neg3A_84 : f32 to vector<1000x128xf32>
    %neg3A_86 = arith.subf %neg3A_85, %div3A_83 : vector<1000x128xf32>
    %exp3A_87 = math.exp %neg3A_86 : vector<1000x128xf32>
    %add3A_88 = arith.constant 1.000000e+00 : f32
    %add3A_89 = vector.broadcast %add3A_88 : f32 to vector<1000x128xf32>
    %add3A_90 = arith.addf %add3A_89, %exp3A_87 : vector<1000x128xf32>
    %div3A_91 = arith.divf %div3A_83, %add3A_90 : vector<1000x128xf32>
    %jit3A_92 = arith.constant 0.000000e+00 : f32
    %broadcast_in_dim3A_93 = vector.broadcast %jit3A_92 : f32 to vector<1000x128xf32>
    %select_n3A_94 = arith.select %gt3A_9, %div3A_91, %broadcast_in_dim3A_93 : vector<1000x128xi1>, vector<1000x128xf32>
    %mul3A_95 = arith.mulf %select_n3A_94, %select_n3A_94 : vector<1000x128xf32>
    %reduce_sum3A_96 = arith.constant dense<0.000000e+00> : vector<1000xf32>
    %reduce_sum3A_97 = vector.multi_reduction <add>, %mul3A_95, %reduce_sum3A_96 [1] : vector<1000x128xf32> to vector<1000xf32>
    %broadcast_in_dim3A_98 = vector.shape_cast %reduce_sum3A_97 : vector<1000xf32> to vector<1000x1xf32>
    %sqrt3A_99 = math.sqrt %broadcast_in_dim3A_98 : vector<1000x1xf32>
    %max3A_100 = arith.constant 1.000000e-15 : f32
    %max3A_101 = vector.broadcast %max3A_100 : f32 to vector<1000x1xf32>
    %max3A_102 = arith.maximumf %sqrt3A_99, %max3A_101 : vector<1000x1xf32>
    %exp3A_103 = math.exp %max3A_102 : vector<1000x1xf32>
    %neg3A_104 = arith.constant 0.000000e+00 : f32
    %neg3A_105 = vector.broadcast %neg3A_104 : f32 to vector<1000x1xf32>
    %neg3A_106 = arith.subf %neg3A_105, %max3A_102 : vector<1000x1xf32>
    %exp3A_107 = math.exp %neg3A_106 : vector<1000x1xf32>
    %sub3A_108 = arith.subf %exp3A_103, %exp3A_107 : vector<1000x1xf32>
    %mul3A_109 = arith.constant 5.000000e-01 : f32
    %mul3A_110 = vector.broadcast %mul3A_109 : f32 to vector<1000x1xf32>
    %mul3A_111 = arith.mulf %mul3A_110, %sub3A_108 : vector<1000x1xf32>
    %mul3A_112 = vector.broadcast %mul3A_111 : vector<1000x1xf32> to vector<1000x128xf32>
    %mul3A_113 = arith.mulf %mul3A_112, %select_n3A_94 : vector<1000x128xf32>
    %div3A_114 = vector.broadcast %max3A_102 : vector<1000x1xf32> to vector<1000x128xf32>
    %div3A_115 = arith.divf %mul3A_113, %div3A_114 : vector<1000x128xf32>
    %mul3A_116 = arith.mulf %div3A_115, %div3A_115 : vector<1000x128xf32>
    %reduce_sum3A_117 = arith.constant dense<0.000000e+00> : vector<1000xf32>
    %reduce_sum3A_118 = vector.multi_reduction <add>, %mul3A_116, %reduce_sum3A_117 [1] : vector<1000x128xf32> to vector<1000xf32>
    %broadcast_in_dim3A_119 = vector.shape_cast %reduce_sum3A_118 : vector<1000xf32> to vector<1000x1xf32>
    %add3A_120 = arith.constant 1.000000e+00 : f32
    %add3A_121 = vector.broadcast %add3A_120 : f32 to vector<1000x1xf32>
    %add3A_122 = arith.addf %add3A_121, %broadcast_in_dim3A_119 : vector<1000x1xf32>
    %jit3A_123 = arith.constant 1.000000e-07 : f32
    %max3A_124 = vector.broadcast %jit3A_123 : f32 to vector<1000x1xf32>
    %max3A_125 = arith.maximumf %max3A_124, %add3A_122 : vector<1000x1xf32>
    %sqrt3A_126 = math.sqrt %max3A_125 : vector<1000x1xf32>
    %eq3A = arith.constant 0 : i32
    %eq3A_127 = vector.broadcast %eq3A : i32 to vector<1000x128xi32>
    %eq3A_128 = arith.cmpi eq, %iota3A, %eq3A_127 : vector<1000x128xi32>
    %broadcast_in_dim3A_129 = vector.shape_cast %sqrt3A_126 : vector<1000x1xf32> to vector<1000x1xf32>
    %broadcast_in_dim3A_130 = vector.broadcast %broadcast_in_dim3A_129 : vector<1000x1xf32> to vector<1000x128xf32>
    %select_n3A_131 = arith.select %eq3A_128, %broadcast_in_dim3A_130, %div3A_115 : vector<1000x128xi1>, vector<1000x128xf32>
    %swap3A = arith.constant 0 : index
    %swap3A_132 = arith.constant 0 : index
    %swap3A_133 = vector.load %arg3[%swap3A, %swap3A_132] : memref<1000x128xf32, #tpu.memory_space<vmem>>, vector<1000x128xf32>
    tpu.vector_store %arg3[%swap3A, %swap3A_132], %select_n3A_131 {strides = array<i32>} : memref<1000x128xf32, #tpu.memory_space<vmem>>, vector<1000x128xf32>,
    return
  }
  func.func @transform_0(%arg0: i32) -> (i32, i32) {
    %c0_i32 = arith.constant 0 : i32
    %c0_i32_0 = arith.constant 0 : i32
    return %arg0, %c0_i32 : i32, i32
  }
  func.func @transform_1(%arg0: i32) -> (i32, i32, i32) {
    %c0_i32 = arith.constant 0 : i32
    %c0_i32_0 = arith.constant 0 : i32
    %c0_i32_1 = arith.constant 0 : i32
    return %c0_i32, %arg0, %c0_i32_0 : i32, i32, i32
  }
  func.func @transform_2(%arg0: i32) -> (i32, i32) {
    %c0_i32 = arith.constant 0 : i32
    %c0_i32_0 = arith.constant 0 : i32
    return %arg0, %c0_i32 : i32, i32
  }
}

</mosaic_0001>

<sc_bundles>
// kernel: kernel.6.cloned.1.call-start
scs
__scs_entry_jumppad:
0x0: {  	(pc) =	sbr.rel $0x88, $3  }
0x1: {  	(tag) =	ssettag $0x0;
	lr =	simm.s32 $0x1  }
0x2: {  	[smem:$0x3F96] =	sst lr;
	_ =	strace $0xD0000000  }
0x3: {  	_ = 	snop  }
0x4: {  	_ = 	snop  }
0x5: {  	_ = 	snop  }
0x6: {  	_ = 	snop  }
0x7: {  	_ = 	snop  }
__scs_overlays_trampoline_lowered:
0x8: {  	[smem:$0x3FA5] =	sst s0  }
0x9: {  	[smem:$0x3FA6] =	sst s1  }
0xa: {  	[smem:$0x3FA7] =	sst s2  }
0xb: {  	[smem:$0x3FA8] =	sst s3  }
0xc: {  	[smem:$0x3FA9] =	sst s4  }
0xd: {  	[smem:$0x3FAA] =	sst s5  }
0xe: {  	[smem:$0x3FAB] =	sst s6  }
0xf: {  	[smem:$0x3FAC] =	sst s7  }
0x10: {  	[smem:$0x3FAD] =	sst s8  }
0x11: {  	[smem:$0x3FAE] =	sst s9;
	s0 =	simm.s32 @!p0 $0x0  }
0x12: {  	s1 =	sld [smem:$0x3F94];
	s0 =	simm.s32 @p0 $0x1  }
0x13: {  	[smem:$0x3FAF] =	sst s0;
	s0 =	simm.s32 @!p1 $0x0  }
0x14: {  	s2 =	sld [smem:$0x3F93];
	s0 =	simm.s32 @p1 $0x1  }
0x15: {  	[smem:$0x3FB0] =	sst s0;
	s0 =	simm.s32 @!p2 $0x0  }
0x16: {  	s3 =	sld [smem:$0x3FDB];
	s0 =	simm.s32 @p2 $0x1  }
0x17: {  	s4 =	simm.s32 $0x1BF5;
	[smem:$0x3FB2] =	sst s0  }
0x18: {  	s0 =	sld [smem:$0x3F95];
	_ =	swait.ge [sflag:s4], $0x0  }
0x19: {  	s7 =	sld [smem:$0x3F96]  }
0x1a: {  	s8 =	sadd.s32 $0xFFFFE003, lr  }
0x1b: {  	s9 =	sadd.s32 $0xFFFFFEF7, lr;
	s5 =	simm.s32 $0xFFFFFFFF;
	p2 =	slt.u32 s8, $0xFFFFF086  }
0x1c: {  	p1 =	slt.u32 s9, $0xF7A;
	s5 =	simm.s32 @!p2 $0x0  }
0x1d: {  	s5 =	simm.s32 @p1 $0x1;
	p0 =	seq.s32 s7, s2  }
0x1e: {  	s7 =	smul.u32 @!p0 $0xF7A, s2;
	p2 =	seq.s32 @!p0 s5, $0x0  }
0x1f: {  	s9 =	smul.u32 $0xF7A, s1;
	s8 =	simm.s32 @!p0 $0x1BF5;
	p2 =	por !p2, p0  }
0x20: {  	[sflag:s8] =	ssyncset.s32 @!p0 $0xFFFFF086;
	s6 =	sadd.s32 @!p0 s3, s7;
	s7 =	simm.s32 @!p0 $0x108  }
0x21: {  	s3 =	sadd.s32 s3, s9;
	s6 =	sadd.s32 @!p0 $0x88, s6;
	s7 =	simm.s32 @p2 $0x1082  }
0x22: {  	[simem:s7], [sflag:s8] =	dma.local @!p0 [hbm:s6], $0xF7A  }
0x23: {  	s9 =	sor.u32 $0xD0000000, s2;
	s6 =	simm.s32 $0x108;
	_ =	swait.ge @!p0 [sflag:s8], $0x0  }
0x24: {  	s3 =	sadd.s32 $0x88, s3;
	s6 =	simm.s32 @!p1 $0x1082;
	[sflag:s4] =	ssyncset.s32 $0xFFFFF086  }
0x25: {  	[simem:s6], [sflag:s4] =	dma.local [hbm:s3], $0xF7A  }
0x26: {  	[smem:$0x3F96] =	sst s1;
	(tag) =	ssettag s2;
	_ =	strace s9  }
0x27: {  	s1 =	sld [smem:$0x3FA6]  }
0x28: {  	s2 =	sld [smem:$0x3FA7]  }
0x29: {  	s4 =	sld [smem:$0x3FA9]  }
0x2a: {  	p0 =	seq.s32 s5, $0x0;
	s5 =	sld [smem:$0x3FAA]  }
0x2b: {  	s6 =	sld [smem:$0x3FAB]  }
0x2c: {  	s7 =	sld [smem:$0x3FAC]  }
0x2d: {  	s3 =	simm.s32 $0x108;
	s8 =	sld [smem:$0x3FAD]  }
0x2e: {  	s3 =	simm.s32 @!p0 $0x1082;
	s9 =	sld [smem:$0x3FAE]  }
0x2f: {  	lr =	sadd.s32 s0, s3;
	s0 =	sld [smem:$0x3FA5]  }
0x30: {  	s3 =	sld [smem:$0x3FA8]  }
0x31: {  	[smem:$0x3FB1] =	sst s10  }
0x32: {  	s10 =	sld [smem:$0x3FAF];
	_ =	sdelay $0x3  }
0x33: {  	p0 =	seq.s32 s10, $0x1;
	s10 =	sld [smem:$0x3FB1];
	_ =	sdelay $0x3  }
0x34: {  	[smem:$0x3FB1] =	sst s10  }
0x35: {  	s10 =	sld [smem:$0x3FB0];
	_ =	sdelay $0x3  }
0x36: {  	p1 =	seq.s32 s10, $0x1;
	s10 =	sld [smem:$0x3FB1];
	_ =	sdelay $0x3  }
0x37: {  	[smem:$0x3FB1] =	sst s10  }
0x38: {  	s10 =	sld [smem:$0x3FB2]  }
0x39: {  	_ = 	snop;
	(pc) =	sbr.ind lr, $3  }
0x3a: {  	_ = 	snop  }
0x3b: {  	_ = 	snop  }
0x3c: {  	p2 =	seq.s32 s10, $0x1;
	s10 =	sld [smem:$0x3FB1]  }
0x3d: {  	_ =	shalt  }
0x3e: {  	_ =	shalt  }
0x3f: {  	_ =	shalt  }
0x40: {  	_ =	shalt  }
0x41: {  	_ =	shalt  }
0x42: {  	_ =	shalt  }
0x43: {  	_ =	shalt  }
0x44: {  	_ =	shalt  }
0x45: {  	_ =	shalt  }
0x46: {  	_ =	shalt  }
0x47: {  	_ =	shalt  }
0x48: {  	_ =	shalt  }
0x49: {  	_ =	shalt  }
0x4a: {  	_ =	shalt  }
0x4b: {  	_ =	shalt  }
0x4c: {  	_ =	shalt  }
0x4d: {  	_ =	shalt  }
0x4e: {  	_ =	shalt  }
0x4f: {  	_ =	shalt  }
0x50: {  	_ =	shalt  }
0x51: {  	_ =	shalt  }
0x52: {  	_ =	shalt  }
0x53: {  	_ =	shalt  }
0x54: {  	_ =	shalt  }
0x55: {  	_ =	shalt  }
0x56: {  	_ =	shalt  }
0x57: {  	_ =	shalt  }
0x58: {  	_ =	shalt  }
0x59: {  	_ =	shalt  }
0x5a: {  	_ =	shalt  }
0x5b: {  	_ =	shalt  }
0x5c: {  	_ =	shalt  }
0x5d: {  	_ =	shalt  }
0x5e: {  	_ =	shalt  }
0x5f: {  	_ =	shalt  }
0x60: {  	_ =	shalt  }
0x61: {  	_ =	shalt  }
0x62: {  	_ =	shalt  }
0x63: {  	_ =	shalt  }
0x64: {  	_ =	shalt  }
0x65: {  	_ =	shalt  }
0x66: {  	_ =	shalt  }
0x67: {  	_ =	shalt  }
0x68: {  	_ =	shalt  }
0x69: {  	_ =	shalt  }
0x6a: {  	_ =	shalt  }
0x6b: {  	_ =	shalt  }
0x6c: {  	_ =	shalt  }
0x6d: {  	_ =	shalt  }
0x6e: {  	_ =	shalt  }
0x6f: {  	_ =	shalt  }
0x70: {  	_ =	shalt  }
0x71: {  	_ =	shalt  }
0x72: {  	_ =	shalt  }
0x73: {  	_ =	shalt  }
0x74: {  	_ =	shalt  }
0x75: {  	_ =	shalt  }
0x76: {  	_ =	shalt  }
0x77: {  	_ =	shalt  }
0x78: {  	_ =	shalt  }
0x79: {  	_ =	shalt  }
0x7a: {  	_ =	shalt  }
0x7b: {  	_ =	shalt  }
0x7c: {  	_ =	shalt  }
0x7d: {  	_ =	shalt  }
0x7e: {  	_ =	shalt  }
0x7f: {  	_ =	shalt  }
0x80: {  	_ =	shalt  }
0x81: {  	_ =	shalt  }
0x82: {  	_ =	shalt  }
0x83: {  	_ =	shalt  }
0x84: {  	_ =	shalt  }
0x85: {  	_ =	shalt  }
0x86: {  	_ =	shalt  }
0x87: {  	_ =	shalt  }
.Lfunc_end0:
.L_simem_size_0:
called_computation_lowered:
.L_overlay_start_0:
0x88: {  	s2 =	sld [smem:$0x3FD9]  }
0x89: {  	s3 =	sld [smem:$0x3FFE];
	_ =	sdelay $0x1  }
0x8a: {  	s1 =	srdreg.scid  }
0x8b: {  	s0 =	sand.u32 $0x1, s1  }
0x8c: {  	s17 =	sshll.u32 s0, $0xA;
	s2 =	sadd.s32 s3, s2  }
0x8d: {  	s2 =	sadd.s32 s2, s17  }
0x8e: {  	[smem:$0x3FBD] =	sst s2  }
0x8f: {  	_ = 	snop  }
0x90: {  	s2 =	sld [smem:$0x3FC0];
	(tm) =	ssettm $0x1  }
0x91: {  	s18 =	sld [smem:$0x3FFB];
	_ =	sdelay $0x3  }
0x92: {  	_ =	strace s18  }
0x93: {  	s3 =	sld [smem:$0x3FFC];
	_ =	sdelay $0x3  }
0x94: {  	_ =	strace s3  }
0x95: {  	s3 =	sld [smem:$0x3FFD];
	_ =	sdelay $0x3  }
0x96: {  	_ =	strace s3  }
0x97: {  	_ =	strace $0x8FFFFFFF  }
0x98: {  	s19 =	sld [smem:$0x3FDB];
	_ =	sdelay $0x1  }
0x99: {  	s4 =	simm.s32 $_scs_section_size  }
0x9a: {  	s5 =	simm.s32 $_size__tile_overlayer_lowered;
	s6 =	simm.s32 $_tile_overlayer_lowered  }
0x9b: {  	s22 =	simm.s32 $0x1BFF;
	s21 =	sshll.u32 s6, $0x1;
	s3 =	sadd.s32 s4, s19  }
0x9c: {  	s7 =	simm.s32 $0x0;
	s20 =	sshll.u32 s5, $0x1;
	s5 =	sadd.s32 s21, s3  }
0x9d: {  	[timem:s7], [sflag:s22] =	dma.local [hbm:s5], s20  }
0x9e: {  	_ =	swait.ge [sflag:s22], s20  }
0x9f: {  	s4 =	ssub.s32 $0x0, s20;
	[sflag:s22] =	ssyncset.done $0x0  }
0xa0: {  	[sflag:s22] =	ssyncadd.s32 s4;
	_ =	sdelay $0x1  }
0xa1: {  	s23 =	simm.s32 $0x1B8B  }
0xa2: {  	_ =	swait.ge [sflag:s23], $0x1  }
0xa3: {  	[sflag:s23] =	ssyncset.done $0x0  }
0xa4: {  	s25 =	simm.s32 $0x1B8E;
	s24 =	sld [smem:$0x3FFE];
	[sflag:s23] =	ssyncadd.s32 $0xFFFFFFFF  }
0xa5: {  	s26 =	simm.s32 $execute0_lowered;
	[smem:$0x3FD2] =	sst s25  }
0xa6: {  	s5 =	sshll.u32 s26, $0x1;
	_ =	strace $0x80000046;
	[dreg:$0x1] =	wrdreg $0xFFFFFFFF  }
0xa7: {  	s28 =	simm.s32 $_size_execute0_lowered;
	s3 =	sadd.s32 s3, s5;
	[dreg:$0x0] =	wrdreg $0x0  }
0xa8: {  	s5 =	sshll.u32 s28, $0x1;
	[dreg:$0x2] =	wrdreg s3  }
0xa9: {  	[dreg:$0x3] =	wrdreg s5  }
0xaa: {  	[dreg:$0x4] =	wrdreg $0xC0  }
0xab: {  	_ =	task [dreg:s7], $0x5FFFF  }
0xac: {  	[dreg:$0x1] =	wrdreg $0xFFFFFFFF  }
0xad: {  	[dreg:$0x0] =	wrdreg $0x60  }
0xae: {  	[dreg:$0x2] =	wrdreg s24  }
0xaf: {  	[dreg:$0x3] =	wrdreg s2  }
0xb0: {  	[dreg:$0x4] =	wrdreg $0xB1100  }
0xb1: {  	[dreg:$0x5] =	wrdreg $0x9  }
0xb2: {  	_ =	task.clear_ibuf [dreg:s7], $0x6FFFF;
	_ =	strace $0x90000046  }
0xb3: {  	s29 =	simm.s32 $0x9;
	_ =	strace $0x80000048  }
0xb4: {  	_ =	swait.ge [sflag:s29], $0x1  }
0xb5: {  	[sflag:s29] =	ssyncadd.s32 $0xFFFFFFFF  }
0xb6: {  	_ =	strace $0x90000048  }
0xb7: {  	_ =	sfence  }
0xb8: {  	s30 =	sld [smem:$0x0];
	_ =	sdelay $0x2  }
0xb9: {  	s31 =	sshll.u32 s1, $0xD;
	s1 =	sshrl.u32 s1, $0x2  }
0xba: {  	s3 =	sand.u32 $0x4000, s31;
	s1 =	sadd.s32 s1, s30  }
0xbb: {  	s0 =	sor.u32 s3, s0;
	s1 =	sshll.u32 s1, $0x11  }
0xbc: {  	s0 =	sor.u32 s1, s0  }
0xbd: {  	s0 =	sadd.s32 $0x8F2B, s0  }
0xbe: {  	[sflag:s0] =	ssyncadd.remote.s32 $0x1  }
0xbf: {  	_ =	sfence.sel $0xFFFF  }
0xc0: {  	[dreg:$0x0] =	wrdreg $0xFFFFFFFF;
	(pc) =	sbr.abs _section_cstart, $3  }
0xc1: {  	[dreg:$0x1] =	wrdreg $0xFFFFFFFF  }
0xc2: {  	_ =	task.clear_ibuf [dreg:s7], $0x2FFFF;
	_ =	strace $0x9FFFFFFF  }
0xc3: {  	(tm) =	ssettm $0x7FFFFFFF  }
tec
execute0_lowered:
.L_overlay_start_1:
0x0: {  	(tag) =	ssettag $0x1  }
0x1: {  	s0 =	rddreg [dreg:$0x0]  }
0x2: {  	s2 =	rddreg [dreg:$0x2]  }
0x3: {  	s3 =	simm.s32 $0x0;
	s1 =	srdreg.scid;
	s7 =	stileid.u32  }
0x4: {  	s29 =	simm.s32 $0x20;
	s30 =	simm.s32 $0x4E200;
	s31 =	simm.s32 $0x80  }
0x5: {  	s28 =	simm.s32 $0x2080;
	[smem:$0x7FF] =	sst s3;
	s6 =	sadd.s32 $0x2800, s0  }
0x6: {  	s1 =	sand.u32 $0x1, s1;
	s4 =	sadd.s32 $0x64400, s0;
	s8 =	smul.u32 $0x13800, s7  }
0x7: {  	s5 =	sadd.s32 $0x16200, s0;
	s11 =	sadd.s32 $0xB2600, s0;
	s14 =	sadd.s32 $0x5BBA00, s0  }
0x8: {  	s24 =	sshll.u32 s7, $0x5;
	s19 =	smul.u32 $0x2700, s7;
	p0 =	sne.s32 s7, $0x0  }
0x9: {  	_ =	strace $0x80000047;
	s9 =	sshll.u32 s1, $0x4;
	s16 =	smul.u32 $0x138800, s1  }
0xa: {  	s10 =	ssub.s32 $0x2, s1;
	s25 =	smul.u32 $0x27000, s1;
	s9 =	sor.u32 s7, s9  }
0xb: {  	p1 =	sne.s32 s1, $0x0;
	s1 =	simm.s32 $0x8080;
	s13 =	smul.u32 $0x2700, s9  }
0xc: {  	s12 =	sshrl.u32 s8, $0x3;
	s15 =	sshrl.u32 s10, $0x1;
	s9 =	smul.u32 $0x27000, s9  }
0xd: {  	s15 =	ssub.s32 s10, s15;
	s18 =	sadd.s32 s8, s16;
	s16 =	sshrl.u32 s16, $0x3  }
0xe: {  	s10 =	sadd.s32 s19, s25;
	s12 =	sadd.s32 s12, s0;
	s8 =	sadd.s32 s8, s2  }
0xf: {  	s26 =	sshrl.u32 s18, $0x3;
	s21 =	sor.u32 $0x40, s10;
	s22 =	sor.u32 $0x20, s10  }
0x10: {  	[dreg:$0xb] =	wrdreg s8;
	s12 =	sadd.s32 $0x594800, s12;
	s9 =	sadd.s32 s11, s9  }
0x11: {  	s18 =	sadd.s32 $0x26E0, s13;
	s20 =	sshll.u32 s22, $0x4;
	[dreg:$0xc] =	wrdreg s12  }
0x12: {  	s13 =	sshrl.u32 s13, $0x3;
	s22 =	sshrl.u32 s22, $0x3;
	s12 =	simm.s32 $0xA080  }
0x13: {  	[dreg:$0x4] =	wrdreg s9;
	s9 =	sor.u32 $0x4E000, s24;
	s23 =	sshll.u32 s18, $0x4  }
0x14: {  	s24 =	sshll.u32 s21, $0x4;
	s8 =	sadd.s32 s6, s13;
	s21 =	sshrl.u32 s21, $0x3  }
0x15: {  	s13 =	simm.s32 $0x2;
	s10 =	sadd.s32 s11, s23;
	[dreg:$0xd] =	wrdreg s8  }
0x16: {  	s17 =	sshll.u32 s9, $0x4;
	s25 =	sadd.s32 s24, s11;
	[dreg:$0x7] =	wrdreg s10  }
0x17: {  	s9 =	sshrl.u32 s9, $0x3;
	s24 =	sadd.s32 $0x138000, s2;
	[dreg:$0x8] =	wrdreg s25  }
0x18: {  	s23 =	sshll.u32 s7, $0x6;
	s17 =	sadd.s32 s11, s17;
	[dreg:$0x10] =	wrdreg s24  }
0x19: {  	s7 =	simm.s32 $0x6080;
	s19 =	sadd.s32 s6, s9;
	[dreg:$0x5] =	wrdreg s17  }
0x1a: {  	s9 =	simm.s32 $0x1;
	s17 =	sadd.s32 s14, s26;
	[dreg:$0xe] =	wrdreg s19  }
0x1b: {  	s14 =	sadd.s32 s14, s16;
	s26 =	sadd.s32 s20, s11;
	[dreg:$0x6] =	wrdreg s17  }
0x1c: {  	s11 =	sadd.s32 $0x594600, s0;
	s20 =	sshrl.u32 s18, $0x3;
	[dreg:$0x9] =	wrdreg s26  }
0x1d: {  	s18 =	sadd.s32 s21, s6;
	s0 =	sadd.s32 $0x5BB800, s0;
	[dreg:$0xa] =	wrdreg s11  }
0x1e: {  	s19 =	sadd.s32 s22, s6;
	s8 =	sadd.s32 s6, s20;
	[dreg:$0x11] =	wrdreg s0  }
0x1f: {  	s20 =	sor.u32 $0x1C03, s23;
	s25 =	sadd.s32 $0x27000, s14;
	[dreg:$0xf] =	wrdreg s8  }
0x20: {  	s26 =	smax.u32 s15, $0x1;
	s0 =	simm.s32 $0x4080;
	[dreg:$0x12] =	wrdreg s25  }
0x21: {  	s6 =	simm.s32 $0x60;
	s14 =	simm.s32 $0x0;
	[dreg:$0x13] =	wrdreg s26  }
0x22: {  	s25 =	simm.s32 $0x3;
	s26 =	simm.s32 $0x40;
	s8 =	simm.s32 $0x9080  }
.LBB2_1:
0x23: {  	s10 =	rddreg [dreg:$0xb]  }
0x24: {  	s21 =	rddreg [dreg:$0xc];
	s15 =	sshrl.u32 s10, $0x3  }
0x25: {  	[spmem:s15], [sflag:s20] =	dma.local [hbm:s21], $0x2700  }
0x26: {  	_ =	swait.ge [sflag:s25], $0x2700  }
0x27: {  	s17 =	simm.s32 @!p0 $0x3;
	[sflag:s25] =	ssyncset.done $0x0;
	s10 =	rddreg [dreg:$0x10]  }
0x28: {  	[sflag:s25] =	ssyncadd.s32 $0xFFFFD900;
	s16 =	sshrl.u32 @!p0 s10, $0x3;
	s10 =	rddreg [dreg:$0x11]  }
0x29: {  	[spmem:s16], [sflag:s20] =	dma.local @!p0 [hbm:s10], $0x100  }
0x2a: {  	_ =	swait.ge @!p0 [sflag:s17], $0x100  }
0x2b: {  	[sflag:s17] =	ssyncset.done @!p0 $0x0  }
0x2c: {  	[sflag:s17] =	ssyncadd.s32 @!p0 $0xFFFFFF00  }
0x2d: {  	s11 =	simm.s32 $0xB080;
	s22 =	rddreg [dreg:$0x1]  }
0x2e: {  	[tilespmem:s11], [sflag:$0x3] =	stream.linear.gather [hbm4b:s22+s3], $0x80, $0x38;
	[tilespmem:$0x1E990] =	vst v63  }
0x2f: {  	_ =	swait.ge [sflag:s25], $0x80  }
0x30: {  	[sflag:s25] =	ssyncset.done $0x0  }
0x31: {  	s24 =	simm.s32 $0xB100;
	s23 =	rddreg [dreg:$0xa];
	[sflag:s25] =	ssyncadd.s32 $0xFFFFFF80  }
0x32: {  	[tilespmem:s24], [sflag:$0x3] =	stream.linear.gather [hbm4b:s23+s3], $0x10, $0x38;
	[tilespmem:$0x1E990] =	vst v63  }
0x33: {  	_ =	swait.ge [sflag:s25], $0x10  }
0x34: {  	[sflag:s25] =	ssyncset.done $0x0  }
0x35: {  	[sflag:s25] =	ssyncadd.s32 $0xFFFFFFF0  }
0x36: {  	[bflag:$0x0] =	sbarrier.arrive $0xFFFF  }
0x37: {  	s11 =	rddreg [dreg:$0xd]  }
0x38: {  	[tilespmem:s3], [sflag:$0x3] =	stream.strided.gather [hbm4b:s11+s29], $0x40, s30, s29, $0x38;
	[tilespmem:$0x1E990] =	vst v63  }
0x39: {  	_ =	swait.ge [sflag:s25], $0x40  }
0x3a: {  	[sflag:s25] =	ssyncset.done $0x0  }
0x3b: {  	[sflag:s25] =	ssyncadd.s32 $0xFFFFFFC0  }
0x3c: {  	[tilespmem:s31], [sflag:$0x1] =	stream.indirect.gather [hbm4b:s4+s29], $0x100, s3, s29, $0xb8;
	[tilespmem:$0x1E990] =	vst v63  }
0x3d: {  	_ = 	snop  }
0x3e: {  	[tilespmem:s0], [sflag:$0x1] =	stream.indirect.gather [hbm4b:s5+s29], $0x100, s29, s29, $0xb8;
	[tilespmem:$0x1E990] =	vst v63  }
0x3f: {  	s17 =	rddreg [dreg:$0x4]  }
0x40: {  	[tilespmem:s1], [sflag:$0x1] =	stream.linear.gather [hbm4b:s17+s3], $0x1000, $0x38;
	[tilespmem:$0x1E990] =	vst v63  }
0x41: {  	s21 =	sadd.s32 $0x0, s19  }
0x42: {  	[tilespmem:s26], [sflag:$0x3] =	stream.strided.gather [hbm4b:s21+s29], $0x40, s30, s29, $0x38;
	[tilespmem:$0x1E990] =	vst v63  }
0x43: {  	_ =	swait.ge [sflag:s25], $0x40  }
0x44: {  	[sflag:s25] =	ssyncset.done $0x0  }
0x45: {  	[sflag:s25] =	ssyncadd.s32 $0xFFFFFFC0  }
0x46: {  	[tilespmem:s28], [sflag:$0x2] =	stream.indirect.gather [hbm4b:s4+s29], $0x100, s26, s29, $0xb8;
	[tilespmem:$0x1E990] =	vst v63  }
0x47: {  	_ = 	snop  }
0x48: {  	[tilespmem:s7], [sflag:$0x2] =	stream.indirect.gather [hbm4b:s5+s29], $0x100, s6, s29, $0xb8;
	[tilespmem:$0x1E990] =	vst v63  }
0x49: {  	s22 =	rddreg [dreg:$0x9]  }
0x4a: {  	[tilespmem:s8], [sflag:$0x2] =	stream.linear.gather [hbm4b:s22+s3], $0x1000, $0x38;
	[tilespmem:$0x1E990] =	vst v63  }
0x4b: {  	_ =	swait.ge [sflag:s9], $0x2000  }
0x4c: {  	[sflag:s9] =	ssyncset.done $0x0  }
0x4d: {  	[sflag:s9] =	ssyncadd.s32 $0xFFFFE000  }
0x4e: {  	_ =	swait.ge [sflag:s9], $0x2000  }
0x4f: {  	[sflag:s9] =	ssyncset.done $0x0  }
0x50: {  	[sflag:s9] =	ssyncadd.s32 $0xFFFFE000  }
0x51: {  	_ =	swait.ge [sflag:s9], $0x1000  }
0x52: {  	[sflag:s9] =	ssyncset.done $0x0  }
0x53: {  	[sflag:s9] =	ssyncadd.s32 $0xFFFFF000  }
0x54: {  	[spmem:s2] =	stream.indirect.scatter.add.f32 [tilespmem:s12], [sflag:$0x3], $0x80, s3, s29, $0xb8;
	[tilespmem:$0x1E990] =	vst v63  }
0x55: {  	_ =	swait.ge [sflag:s25], $0x1000  }
0x56: {  	[sflag:s25] =	ssyncset.done $0x0  }
0x57: {  	s23 =	sadd.s32 $0x0, s18;
	[sflag:s25] =	ssyncadd.s32 $0xFFFFF000  }
0x58: {  	[tilespmem:s3], [sflag:$0x3] =	stream.strided.gather [hbm4b:s23+s29], $0x40, s30, s29, $0x38;
	[tilespmem:$0x1E990] =	vst v63  }
0x59: {  	_ =	swait.ge [sflag:s25], $0x40  }
0x5a: {  	[sflag:s25] =	ssyncset.done $0x0  }
0x5b: {  	[sflag:s25] =	ssyncadd.s32 $0xFFFFFFC0  }
0x5c: {  	[tilespmem:s31], [sflag:$0x1] =	stream.indirect.gather [hbm4b:s4+s29], $0x100, s3, s29, $0xb8;
	[tilespmem:$0x1E990] =	vst v63  }
0x5d: {  	_ = 	snop  }
0x5e: {  	[tilespmem:s0], [sflag:$0x1] =	stream.indirect.gather [hbm4b:s5+s29], $0x100, s29, s29, $0xb8;
	[tilespmem:$0x1E990] =	vst v63  }
0x5f: {  	s24 =	rddreg [dreg:$0x8]  }
0x60: {  	[tilespmem:s1], [sflag:$0x1] =	stream.linear.gather [hbm4b:s24+s3], $0x1000, $0x38;
	[tilespmem:$0x1E990] =	vst v63  }
0x61: {  	_ =	swait.ge [sflag:s13], $0x2000  }
0x62: {  	[sflag:s13] =	ssyncset.done $0x0  }
0x63: {  	[sflag:s13] =	ssyncadd.s32 $0xFFFFE000  }
0x64: {  	_ =	swait.ge [sflag:s13], $0x2000  }
0x65: {  	[sflag:s13] =	ssyncset.done $0x0  }
0x66: {  	[sflag:s13] =	ssyncadd.s32 $0xFFFFE000  }
0x67: {  	_ =	swait.ge [sflag:s13], $0x1000  }
0x68: {  	[sflag:s13] =	ssyncset.done $0x0  }
0x69: {  	[sflag:s13] =	ssyncadd.s32 $0xFFFFF000  }
0x6a: {  	[spmem:s2] =	stream.indirect.scatter.add.f32 [tilespmem:s12], [sflag:$0x3], $0x80, s26, s29, $0xb8;
	[tilespmem:$0x1E990] =	vst v63  }
0x6b: {  	s21 =	simm.s32 $0x8;
	s22 =	sadd.s32 $0x400, s22;
	_ =	swait.ge [sflag:s25], $0x1000  }
0x6c: {  	s23 =	simm.s32 $0x10;
	s17 =	sadd.s32 $0x400, s24;
	[sflag:s25] =	ssyncset.done $0x0  }
.LBB2_2:
0x6d: {  	s10 =	sadd.s32 s21, s19  }
0x6e: {  	[sflag:s25] =	ssyncadd.s32 $0xFFFFF000;
	s11 =	smov.u32 s23;
	s24 =	sadd.s32 $0x8, s23  }
0x6f: {  	[tilespmem:s26], [sflag:$0x3] =	stream.strided.gather [hbm4b:s10+s29], $0x40, s30, s29, $0x38;
	[tilespmem:$0x1E990] =	vst v63  }
0x70: {  	p2 =	sne.s32 s23, $0x4D0;
	_ =	swait.ge [sflag:s25], $0x40  }
0x71: {  	[sflag:s25] =	ssyncset.done $0x0  }
0x72: {  	[sflag:s25] =	ssyncadd.s32 $0xFFFFFFC0  }
0x73: {  	[tilespmem:s28], [sflag:$0x2] =	stream.indirect.gather [hbm4b:s4+s29], $0x100, s26, s29, $0xb8;
	[tilespmem:$0x1E990] =	vst v63  }
0x74: {  	_ = 	snop  }
0x75: {  	[tilespmem:s7], [sflag:$0x2] =	stream.indirect.gather [hbm4b:s5+s29], $0x100, s6, s29, $0xb8;
	[tilespmem:$0x1E990] =	vst v63  }
0x76: {  	_ = 	snop  }
0x77: {  	[tilespmem:s8], [sflag:$0x2] =	stream.linear.gather [hbm4b:s22+s3], $0x1000, $0x38;
	[tilespmem:$0x1E990] =	vst v63  }
0x78: {  	_ =	swait.ge [sflag:s9], $0x2000  }
0x79: {  	[sflag:s9] =	ssyncset.done $0x0  }
0x7a: {  	[sflag:s9] =	ssyncadd.s32 $0xFFFFE000  }
0x7b: {  	_ =	swait.ge [sflag:s9], $0x2000  }
0x7c: {  	[sflag:s9] =	ssyncset.done $0x0  }
0x7d: {  	[sflag:s9] =	ssyncadd.s32 $0xFFFFE000  }
0x7e: {  	_ =	swait.ge [sflag:s9], $0x1000  }
0x7f: {  	[sflag:s9] =	ssyncset.done $0x0  }
0x80: {  	[sflag:s9] =	ssyncadd.s32 $0xFFFFF000  }
0x81: {  	[spmem:s2] =	stream.indirect.scatter.add.f32 [tilespmem:s12], [sflag:$0x3], $0x80, s3, s29, $0xb8;
	[tilespmem:$0x1E990] =	vst v63  }
0x82: {  	_ =	swait.ge [sflag:s25], $0x1000  }
0x83: {  	[sflag:s25] =	ssyncset.done $0x0  }
0x84: {  	s10 =	sadd.s32 s21, s18;
	s21 =	smov.u32 s11;
	[sflag:s25] =	ssyncadd.s32 $0xFFFFF000  }
0x85: {  	[tilespmem:s3], [sflag:$0x3] =	stream.strided.gather [hbm4b:s10+s29], $0x40, s30, s29, $0x38;
	[tilespmem:$0x1E990] =	vst v63  }
0x86: {  	_ =	swait.ge [sflag:s25], $0x40  }
0x87: {  	[sflag:s25] =	ssyncset.done $0x0  }
0x88: {  	[sflag:s25] =	ssyncadd.s32 $0xFFFFFFC0  }
0x89: {  	[tilespmem:s31], [sflag:$0x1] =	stream.indirect.gather [hbm4b:s4+s29], $0x100, s3, s29, $0xb8;
	[tilespmem:$0x1E990] =	vst v63  }
0x8a: {  	_ = 	snop  }
0x8b: {  	[tilespmem:s0], [sflag:$0x1] =	stream.indirect.gather [hbm4b:s5+s29], $0x100, s29, s29, $0xb8;
	[tilespmem:$0x1E990] =	vst v63  }
0x8c: {  	_ = 	snop  }
0x8d: {  	[tilespmem:s1], [sflag:$0x1] =	stream.linear.gather [hbm4b:s17+s3], $0x1000, $0x38;
	[tilespmem:$0x1E990] =	vst v63  }
0x8e: {  	_ =	swait.ge [sflag:s13], $0x2000  }
0x8f: {  	[sflag:s13] =	ssyncset.done $0x0  }
0x90: {  	[sflag:s13] =	ssyncadd.s32 $0xFFFFE000  }
0x91: {  	_ =	swait.ge [sflag:s13], $0x2000  }
0x92: {  	[sflag:s13] =	ssyncset.done $0x0  }
0x93: {  	[sflag:s13] =	ssyncadd.s32 $0xFFFFE000  }
0x94: {  	_ =	swait.ge [sflag:s13], $0x1000  }
.Ltmp0:
0x95: {  	[sflag:s13] =	ssyncset.done $0x0;
	(pc) =	sbr.rel @p2 .LBB2_2-.Ltmp0, $4  }
0x96: {  	[sflag:s13] =	ssyncadd.s32 $0xFFFFF000  }
0x97: {  	[spmem:s2] =	stream.indirect.scatter.add.f32 [tilespmem:s12], [sflag:$0x3], $0x80, s26, s29, $0xb8;
	[tilespmem:$0x1E990] =	vst v63  }
0x98: {  	s23 =	smov.u32 s24;
	_ =	swait.ge [sflag:s25], $0x1000  }
0x99: {  	s22 =	sadd.s32 $0x400, s22;
	s17 =	sadd.s32 $0x400, s17;
	[sflag:s25] =	ssyncset.done $0x0  }
0x9a: {  	s10 =	sadd.s32 s21, s19;
	[sflag:s25] =	ssyncadd.s32 $0xFFFFF000  }
0x9b: {  	[tilespmem:s26], [sflag:$0x3] =	stream.strided.gather [hbm4b:s10+s29], $0x40, s30, s29, $0x38;
	[tilespmem:$0x1E990] =	vst v63  }
0x9c: {  	_ =	swait.ge [sflag:s25], $0x40  }
0x9d: {  	[sflag:s25] =	ssyncset.done $0x0  }
0x9e: {  	[sflag:s25] =	ssyncadd.s32 $0xFFFFFFC0  }
0x9f: {  	[tilespmem:s28], [sflag:$0x2] =	stream.indirect.gather [hbm4b:s4+s29], $0x100, s26, s29, $0xb8;
	[tilespmem:$0x1E990] =	vst v63  }
0xa0: {  	_ = 	snop  }
0xa1: {  	[tilespmem:s7], [sflag:$0x2] =	stream.indirect.gather [hbm4b:s5+s29], $0x100, s6, s29, $0xb8;
	[tilespmem:$0x1E990] =	vst v63  }
0xa2: {  	_ = 	snop  }
0xa3: {  	[tilespmem:s8], [sflag:$0x2] =	stream.linear.gather [hbm4b:s22+s3], $0x1000, $0x38;
	[tilespmem:$0x1E990] =	vst v63  }
0xa4: {  	_ =	swait.ge [sflag:s9], $0x2000  }
0xa5: {  	[sflag:s9] =	ssyncset.done $0x0  }
0xa6: {  	[sflag:s9] =	ssyncadd.s32 $0xFFFFE000  }
0xa7: {  	_ =	swait.ge [sflag:s9], $0x2000  }
0xa8: {  	[sflag:s9] =	ssyncset.done $0x0  }
0xa9: {  	[sflag:s9] =	ssyncadd.s32 $0xFFFFE000  }
0xaa: {  	_ =	swait.ge [sflag:s9], $0x1000  }
0xab: {  	[sflag:s9] =	ssyncset.done $0x0  }
0xac: {  	[sflag:s9] =	ssyncadd.s32 $0xFFFFF000  }
0xad: {  	[spmem:s2] =	stream.indirect.scatter.add.f32 [tilespmem:s12], [sflag:$0x3], $0x80, s3, s29, $0xb8;
	[tilespmem:$0x1E990] =	vst v63  }
0xae: {  	_ =	swait.ge [sflag:s25], $0x1000  }
0xaf: {  	[sflag:s25] =	ssyncset.done $0x0  }
0xb0: {  	s11 =	sadd.s32 s21, s18;
	[sflag:s25] =	ssyncadd.s32 $0xFFFFF000  }
0xb1: {  	[tilespmem:s3], [sflag:$0x3] =	stream.strided.gather [hbm4b:s11+s29], $0x40, s30, s29, $0x38;
	[tilespmem:$0x1E990] =	vst v63  }
0xb2: {  	_ =	swait.ge [sflag:s25], $0x40  }
0xb3: {  	[sflag:s25] =	ssyncset.done $0x0  }
0xb4: {  	[sflag:s25] =	ssyncadd.s32 $0xFFFFFFC0  }
0xb5: {  	[tilespmem:s31], [sflag:$0x1] =	stream.indirect.gather [hbm4b:s4+s29], $0x100, s3, s29, $0xb8;
	[tilespmem:$0x1E990] =	vst v63  }
0xb6: {  	_ = 	snop  }
0xb7: {  	[tilespmem:s0], [sflag:$0x1] =	stream.indirect.gather [hbm4b:s5+s29], $0x100, s29, s29, $0xb8;
	[tilespmem:$0x1E990] =	vst v63  }
0xb8: {  	_ = 	snop  }
0xb9: {  	[tilespmem:s1], [sflag:$0x1] =	stream.linear.gather [hbm4b:s17+s3], $0x1000, $0x38;
	[tilespmem:$0x1E990] =	vst v63  }
0xba: {  	_ =	swait.ge [sflag:s13], $0x2000  }
0xbb: {  	[sflag:s13] =	ssyncset.done $0x0  }
0xbc: {  	[sflag:s13] =	ssyncadd.s32 $0xFFFFE000  }
0xbd: {  	_ =	swait.ge [sflag:s13], $0x2000  }
0xbe: {  	[sflag:s13] =	ssyncset.done $0x0  }
0xbf: {  	[sflag:s13] =	ssyncadd.s32 $0xFFFFE000  }
0xc0: {  	_ =	swait.ge [sflag:s13], $0x1000  }
0xc1: {  	[sflag:s13] =	ssyncset.done $0x0  }
0xc2: {  	[sflag:s13] =	ssyncadd.s32 $0xFFFFF000  }
0xc3: {  	[spmem:s2] =	stream.indirect.scatter.add.f32 [tilespmem:s12], [sflag:$0x3], $0x80, s26, s29, $0xb8;
	[tilespmem:$0x1E990] =	vst v63  }
0xc4: {  	_ =	swait.ge [sflag:s25], $0x1000  }
0xc5: {  	[sflag:s25] =	ssyncset.done $0x0  }
0xc6: {  	s21 =	rddreg [dreg:$0xf];
	[sflag:s25] =	ssyncadd.s32 $0xFFFFF000  }
0xc7: {  	[tilespmem:s26], [sflag:$0x3] =	stream.strided.gather [hbm4b:s21+s29], $0x40, s30, s29, $0x38;
	[tilespmem:$0x1E990] =	vst v63  }
0xc8: {  	_ =	swait.ge [sflag:s25], $0x40  }
0xc9: {  	[sflag:s25] =	ssyncset.done $0x0  }
0xca: {  	[sflag:s25] =	ssyncadd.s32 $0xFFFFFFC0  }
0xcb: {  	[tilespmem:s28], [sflag:$0x2] =	stream.indirect.gather [hbm4b:s4+s29], $0x100, s26, s29, $0xb8;
	[tilespmem:$0x1E990] =	vst v63  }
0xcc: {  	_ = 	snop  }
0xcd: {  	[tilespmem:s7], [sflag:$0x2] =	stream.indirect.gather [hbm4b:s5+s29], $0x100, s6, s29, $0xb8;
	[tilespmem:$0x1E990] =	vst v63  }
0xce: {  	s22 =	rddreg [dreg:$0x7]  }
0xcf: {  	[tilespmem:s8], [sflag:$0x2] =	stream.linear.gather [hbm4b:s22+s3], $0x1000, $0x38;
	[tilespmem:$0x1E990] =	vst v63  }
0xd0: {  	_ =	swait.ge [sflag:s9], $0x2000  }
0xd1: {  	[sflag:s9] =	ssyncset.done $0x0  }
0xd2: {  	[sflag:s9] =	ssyncadd.s32 $0xFFFFE000  }
0xd3: {  	_ =	swait.ge [sflag:s9], $0x2000  }
0xd4: {  	[sflag:s9] =	ssyncset.done $0x0  }
0xd5: {  	[sflag:s9] =	ssyncadd.s32 $0xFFFFE000  }
0xd6: {  	_ =	swait.ge [sflag:s9], $0x1000  }
0xd7: {  	[sflag:s9] =	ssyncset.done $0x0  }
0xd8: {  	[sflag:s9] =	ssyncadd.s32 $0xFFFFF000  }
0xd9: {  	[spmem:s2] =	stream.indirect.scatter.add.f32 [tilespmem:s12], [sflag:$0x3], $0x80, s3, s29, $0xb8;
	[tilespmem:$0x1E990] =	vst v63  }
0xda: {  	_ =	swait.ge [sflag:s25], $0x1000  }
0xdb: {  	[sflag:s25] =	ssyncset.done $0x0  }
0xdc: {  	[sflag:s25] =	ssyncadd.s32 $0xFFFFF000  }
0xdd: {  	_ =	swait.ge [sflag:s13], $0x2000  }
0xde: {  	[sflag:s13] =	ssyncset.done $0x0  }
0xdf: {  	[sflag:s13] =	ssyncadd.s32 $0xFFFFE000  }
0xe0: {  	_ =	swait.ge [sflag:s13], $0x2000  }
0xe1: {  	[sflag:s13] =	ssyncset.done $0x0  }
0xe2: {  	[sflag:s13] =	ssyncadd.s32 $0xFFFFE000  }
0xe3: {  	_ =	swait.ge [sflag:s13], $0x1000  }
0xe4: {  	[sflag:s13] =	ssyncset.done $0x0  }
0xe5: {  	[sflag:s13] =	ssyncadd.s32 $0xFFFFF000  }
0xe6: {  	[spmem:s2] =	stream.indirect.scatter.add.f32 [tilespmem:s12], [sflag:$0x3], $0x80, s26, s29, $0xb8;
	[tilespmem:$0x1E990] =	vst v63  }
0xe7: {  	_ =	swait.ge [sflag:s25], $0x1000  }
0xe8: {  	s10 =	simm.s32 @!p1 $0x20;
	s11 =	simm.s32 @!p1 $0x4E200;
	[sflag:s25] =	ssyncset.done $0x0  }
0xe9: {  	s17 =	simm.s32 @!p1 $0x0;
	s21 =	rddreg [dreg:$0xe];
	[sflag:s25] =	ssyncadd.s32 $0xFFFFF000  }
0xea: {  	[tilespmem:s17], [sflag:$0x3] =	stream.strided.gather @!p1 [hbm4b:s21+s10], $0x40, s11, s10, $0x38;
	[tilespmem:$0x1E990] =	vst v63  }
0xeb: {  	s11 =	simm.s32 @!p1 $0x3  }
0xec: {  	_ =	swait.ge @!p1 [sflag:s11], $0x40  }
0xed: {  	[sflag:s11] =	ssyncset.done @!p1 $0x0  }
0xee: {  	s21 =	simm.s32 @!p1 $0x80;
	[sflag:s11] =	ssyncadd.s32 @!p1 $0xFFFFFFC0  }
0xef: {  	[tilespmem:s21], [sflag:$0x1] =	stream.indirect.gather @!p1 [hbm4b:s4+s10], $0x100, s17, s10, $0xb8;
	[tilespmem:$0x1E990] =	vst v63  }
0xf0: {  	s21 =	simm.s32 @!p1 $0x4080  }
0xf1: {  	[tilespmem:s21], [sflag:$0x1] =	stream.indirect.gather @!p1 [hbm4b:s5+s10], $0x100, s10, s10, $0xb8;
	[tilespmem:$0x1E990] =	vst v63  }
0xf2: {  	s22 =	rddreg [dreg:$0x5];
	s21 =	simm.s32 @!p1 $0x8080  }
0xf3: {  	[tilespmem:s21], [sflag:$0x1] =	stream.linear.gather @!p1 [hbm4b:s22+s17], $0x1000, $0x38;
	[tilespmem:$0x1E990] =	vst v63  }
0xf4: {  	s21 =	simm.s32 @!p1 $0x1  }
0xf5: {  	_ =	swait.ge @!p1 [sflag:s21], $0x2000  }
0xf6: {  	[sflag:s21] =	ssyncset.done @!p1 $0x0  }
0xf7: {  	[sflag:s21] =	ssyncadd.s32 @!p1 $0xFFFFE000  }
0xf8: {  	_ =	swait.ge @!p1 [sflag:s21], $0x2000  }
0xf9: {  	[sflag:s21] =	ssyncset.done @!p1 $0x0  }
0xfa: {  	[sflag:s21] =	ssyncadd.s32 @!p1 $0xFFFFE000  }
0xfb: {  	_ =	swait.ge @!p1 [sflag:s21], $0x1000  }
0xfc: {  	[sflag:s21] =	ssyncset.done @!p1 $0x0  }
0xfd: {  	[sflag:s21] =	ssyncadd.s32 @!p1 $0xFFFFF000;
	s21 =	simm.s32 @!p1 $0xA080  }
0xfe: {  	[spmem:s2] =	stream.indirect.scatter.add.f32 @!p1 [tilespmem:s21], [sflag:$0x3], $0x80, s17, s10, $0xb8;
	[tilespmem:$0x1E990] =	vst v63  }
0xff: {  	_ =	swait.ge @!p1 [sflag:s11], $0x1000  }
0x100: {  	[sflag:s11] =	ssyncset.done @!p1 $0x0  }
0x101: {  	[sflag:s11] =	ssyncadd.s32 @!p1 $0xFFFFF000  }
0x102: {  	[bflag:$0x0] =	sbarrier.arrive $0xFFFF  }
0x103: {  	s23 =	rddreg [dreg:$0x6]  }
0x104: {  	[hbm:s23], [sflag:s20] =	dma.local [spmem:s15], $0x2700  }
0x105: {  	_ =	swait.ge [sflag:s25], $0x2700  }
0x106: {  	[sflag:s25] =	ssyncset.done $0x0  }
0x107: {  	s10 =	rddreg [dreg:$0x12];
	[sflag:s25] =	ssyncadd.s32 $0xFFFFD900  }
0x108: {  	[hbm:s10], [sflag:s20] =	dma.local @!p0 [spmem:s16], $0x100  }
0x109: {  	s10 =	simm.s32 @!p0 $0x3  }
0x10a: {  	_ =	swait.ge @!p0 [sflag:s10], $0x100  }
0x10b: {  	s14 =	sadd.s32 $0x1, s14;
	s24 =	rddreg [dreg:$0x13]  }
0x10c: {  	p2 =	sne.s32 s14, s24  }
.Ltmp1:
0x10d: {  	_ = 	snop;
	(pc) =	sbr.rel @p2 .LBB2_1-.Ltmp1, $3  }
0x10e: {  	_ =	sdelay $0x1  }
0x10f: {  	[sflag:s10] =	ssyncset.done @!p0 $0x0  }
0x110: {  	[sflag:s10] =	ssyncadd.s32 @!p0 $0xFFFFFF00  }
0x111: {  	_ =	sfence.sel $0x180000  }
0x112: {  	[bflag:$0x0] =	sbarrier.arrive $0xFFFF  }
0x113: {  	_ =	strace $0x90000047  }
0x114: {  	[bflag:$0x2] =	sbarrier.arrive $0xFFFF  }
0x115: {  	s0 =	rddreg [dreg:$0x3]  }
0x116: {  	s0 =	sadd.s32 @!p0 $0x100000, s0  }
0x117: {  	[sflag:s0] =	ssyncadd.tile.s32 @!p0 $0x1;
	_ =	shalt  }
.Lfunc_end2:
_tile_overlayer_lowered:
.L_overlay_start_2:
0x118: {  	(tag) =	ssettag $0x2  }
0x119: {  	s0 =	rddreg [dreg:$0x0];
	s2 =	stileid.u32  }
0x11a: {  	s1 =	rddreg [dreg:$0x1];
	p0 =	sne.s32 s2, $0x0  }
0x11b: {  	s3 =	rddreg [dreg:$0x2];
	[bflag:$0x3] =	sbarrier.arrive $0xFFFF;
	s2 =	simm.s32 @!p0 $0x1C03  }
0x11c: {  	[timem:s3], [sflag:s2] =	dma.local @!p0 [hbm:s0], s1  }
0x11d: {  	s0 =	simm.s32 @!p0 $0x3  }
0x11e: {  	_ =	swait.ge @!p0 [sflag:s0], s1  }
0x11f: {  	s1 =	ssub.s32 @!p0 $0x0, s1;
	[sflag:s0] =	ssyncset.done @!p0 $0x0  }
0x120: {  	[sflag:s0] =	ssyncadd.s32 @!p0 s1  }
0x121: {  	[bflag:$0x3] =	sbarrier.arrive $0xFFFF  }
0x122: {  	_ =	shalt  }

</sc_bundles>
